<compile_context>
chip_gen: v7x
topology: tpu7x:2x2x1
jax: 0.10.2.dev20260603
libtpu: 0.0.44.dev20260713+nightly
codegen_flags: <defaults>
</compile_context>

<pallas_src>
import functools

import jax
import jax.numpy as jnp
from jax import lax
from jax.experimental import pallas as pl
from jax.experimental.pallas import tpu as pltpu
from jax.experimental.pallas import tpu_sc as plsc

_LANES = 16


def _build(n_rows: int, n_cols: int, n_w: int, n_workers: int):
    rows_per = n_rows // n_workers
    per = rows_per * n_cols
    n_chunks = rows_per // _LANES
    assert rows_per * n_workers == n_rows and n_chunks * _LANES == rows_per
    assert n_w <= _LANES
    mesh = plsc.VectorSubcoreMesh(core_axis_name="c", subcore_axis_name="s")

    @functools.partial(
        pl.kernel,
        out_type=jax.ShapeDtypeStruct((n_rows * n_cols,), jnp.float32),
        mesh=mesh,
        scratch_types=[
            pltpu.VMEM((_LANES,), jnp.float32),
            pltpu.VMEM((n_cols, rows_per), jnp.int32),
            pltpu.VMEM((per,), jnp.float32),
            pltpu.SemaphoreType.DMA,
        ],
        compiler_params=pltpu.CompilerParams(needs_layout_passes=False),
    )
    def run(xt_hbm, w_hbm, out_hbm, tab, xts, ov, s1):
        wid = lax.axis_index("s") * 2 + lax.axis_index("c")
        row0 = wid * rows_per
        c1 = pltpu.async_copy(
            xt_hbm.at[:, pl.ds(row0, rows_per)], xts, s1)
        pltpu.sync_copy(w_hbm, tab.at[pl.ds(0, n_w)])
        t = jnp.exp(tab[...])
        addr_col = lax.iota(jnp.int32, _LANES) * n_cols
        c1.wait()

        @plsc.parallel_loop(0, n_chunks, 1)
        def body(k):
            ock = ov.at[pl.ds(k * (_LANES * n_cols), _LANES * n_cols)]
            for j in range(n_cols):
                idx = xts[j, pl.ds(k * _LANES, _LANES)]
                vals = t.at[idx].get(mode="promise_in_bounds")
                plsc.store_scatter(ock, [addr_col + j], vals)

        pltpu.sync_copy(ov, out_hbm.at[pl.ds(row0 * n_cols, per)])

    return run


def kernel(x, weight):
    n_rows, n_cols = x.shape
    return _build(n_rows, n_cols, weight.shape[0], 32)(
        x.T.astype(jnp.int32), weight.astype(jnp.float32))

# --- scband reference (transcript-rebuilt; emitter-appended) ---
"""Pipeline reference for scband-zw-69492570849393 (READ-ONLY COPY).

The authoritative reference and input builder live on the scoring server;
editing this copy changes nothing except your own understanding.
"""

import jax, jax.numpy as jnp
import numpy as np

def setup_inputs(seed: int = 0) -> dict:
    key = jax.random.key(seed)
    k1, _ = jax.random.split(key)
    x = jax.random.randint(k1, (16384, 26), 0, 3, dtype=jnp.int64)
    weight = jnp.array([1.0, 0.1, 0.1], dtype=jnp.float32)
    return {"x": x, "weight": weight}

def reference(x, weight):
    # gather from 3-element table, exponentiate, flatten
    return jnp.exp(weight[x]).reshape(-1)

if __name__ == "__main__":
    import jax
    _d = setup_inputs()
    print(jax.jit(kernel)(*tuple(_d.values())))

</pallas_src>

<mosaic_0001>
#map = affine_map<(d0, d1) -> (0, 0)>
#map1 = affine_map<(d0, d1) -> (0)>
module attributes {stable_mosaic.version = 14 : i64} {
  func.func @run(%arg0: i32, %arg1: i32, %arg2: memref<26x16384xi32, #tpu.memory_space<hbm>>, %arg3: memref<3xf32, #tpu.memory_space<hbm>>, %arg4: memref<425984xf32, #tpu.memory_space<hbm>>, %arg5: memref<16xf32, #tpu.memory_space<vmem>>, %arg6: memref<26x512xi32, #tpu.memory_space<vmem>>, %arg7: memref<13312xf32, #tpu.memory_space<vmem>>, %arg8: memref<!tpu.dma_semaphore, #tpu.memory_space<semaphore_mem>>) attributes {dimension_semantics = [#tpu.dimension_semantics<core_parallel>, #tpu.dimension_semantics<subcore_parallel>], iteration_bounds = array<i64: 2, 16>, scalar_prefetch = 0 : i64, scratch_operands = 4 : i64, tpu.core_type = #tpu.core_type<sc_vector_subcore>, window_params = [{transform_indices = #map}, {transform_indices = #map1}, {transform_indices = #map1}]} {
    %mul3A = arith.constant 2 : i32
    %mul3A_0 = arith.muli %arg1, %mul3A : i32
    %add3A = arith.addi %mul3A_0, %arg0 : i32
    %mul3A_1 = arith.constant 512 : i32
    %mul3A_2 = arith.muli %add3A, %mul3A_1 : i32
    %dma_start3A = arith.constant 0 : i32
    %dma_start3A_3 = tpu.memref_slice %arg2[%dma_start3A, %mul3A_2] : memref<26x16384xi32, #tpu.memory_space<hbm>> -> memref<26x512xi32, #tpu.memory_space<hbm>>
    %dma_start3A_4 = arith.constant 0 : i32
    %dma_start3A_5 = tpu.memref_slice %arg2[%dma_start3A_4, %mul3A_2] : memref<26x16384xi32, #tpu.memory_space<hbm>> -> memref<26x512xi32, #tpu.memory_space<hbm>>
    tpu.enqueue_dma source(%dma_start3A_5 : memref<26x512xi32, #tpu.memory_space<hbm>>) target(%arg6 : memref<26x512xi32, #tpu.memory_space<vmem>>) target_semaphore(%arg8 : memref<!tpu.dma_semaphore, #tpu.memory_space<semaphore_mem>>)
    "tpu.region"() ({
      %run_scoped3A = tpu.sem_alloc : memref<!tpu.dma_semaphore, #tpu.memory_space<semaphore_mem>>
      %dma_start3A_17 = arith.constant 0 : i32
      %dma_start3A_18 = tpu.memref_slice %arg5[%dma_start3A_17] : memref<16xf32, #tpu.memory_space<vmem>> -> memref<3xf32, #tpu.memory_space<vmem>>
      %dma_start3A_19 = arith.constant 0 : i32
      %dma_start3A_20 = tpu.memref_slice %arg5[%dma_start3A_19] : memref<16xf32, #tpu.memory_space<vmem>> -> memref<3xf32, #tpu.memory_space<vmem>>
      tpu.enqueue_dma source(%arg3 : memref<3xf32, #tpu.memory_space<hbm>>) target(%dma_start3A_20 : memref<3xf32, #tpu.memory_space<vmem>>) target_semaphore(%run_scoped3A : memref<!tpu.dma_semaphore, #tpu.memory_space<semaphore_mem>>)
      %dma_wait3A_21 = arith.constant 0 : i32
      %dma_wait3A_22 = tpu.memref_slice %arg5[%dma_wait3A_21] : memref<16xf32, #tpu.memory_space<vmem>> -> memref<3xf32, #tpu.memory_space<vmem>>
      %dma_wait3A_23 = arith.constant 0 : i32
      %dma_wait3A_24 = tpu.memref_slice %arg5[%dma_wait3A_23] : memref<16xf32, #tpu.memory_space<vmem>> -> memref<3xf32, #tpu.memory_space<vmem>>
      tpu.wait_dma2 semaphore(%run_scoped3A : memref<!tpu.dma_semaphore, #tpu.memory_space<semaphore_mem>>) src(%arg3 : memref<3xf32, #tpu.memory_space<hbm>>) dst(%dma_wait3A_24 : memref<3xf32, #tpu.memory_space<vmem>>)
      tpu.yield
    }) : () -> ()
    %get3A = arith.constant 0 : index
    %get3A_6 = tpu.vector_load %arg5[%get3A] {strides = array<i32>} : memref<16xf32, #tpu.memory_space<vmem>>, vector<16xf32>,
    %exp3A = math.exp %get3A_6 : vector<16xf32>
    %iota3A = tpu.iota {dimensions = array<i32: 0>} : vector<16xi32>
    %mul3A_7 = arith.constant 26 : i32
    %mul3A_8 = vector.broadcast %mul3A_7 : i32 to vector<16xi32>
    %mul3A_9 = arith.muli %iota3A, %mul3A_8 : vector<16xi32>
    %dma_wait3A = arith.constant 0 : i32
    %dma_wait3A_10 = tpu.memref_slice %arg2[%dma_wait3A, %mul3A_2] : memref<26x16384xi32, #tpu.memory_space<hbm>> -> memref<26x512xi32, #tpu.memory_space<hbm>>
    %dma_wait3A_11 = arith.constant 0 : i32
    %dma_wait3A_12 = tpu.memref_slice %arg2[%dma_wait3A_11, %mul3A_2] : memref<26x16384xi32, #tpu.memory_space<hbm>> -> memref<26x512xi32, #tpu.memory_space<hbm>>
    tpu.wait_dma2 semaphore(%arg8 : memref<!tpu.dma_semaphore, #tpu.memory_space<semaphore_mem>>) src(%dma_wait3A_12 : memref<26x512xi32, #tpu.memory_space<hbm>>) dst(%arg6 : memref<26x512xi32, #tpu.memory_space<vmem>>)
    %parallel_loop3A = arith.constant 0 : i32
    %parallel_loop3A_13 = arith.constant 32 : i32
    %parallel_loop3A_14 = arith.constant 1 : i32
    scf.for %parallel_loop3A_17 = %parallel_loop3A to %parallel_loop3A_13 step %parallel_loop3A_14  : i32 {
      %parallel_loop3A_18 = arith.constant 416 : i32
      %parallel_loop3A_19 = arith.muli %parallel_loop3A_17, %parallel_loop3A_18 : i32
      %parallel_loop3A_20 = arith.constant 16 : i32
      %parallel_loop3A_21 = arith.muli %parallel_loop3A_17, %parallel_loop3A_20 : i32
      %parallel_loop3A_22 = arith.constant 0 : i32
      %parallel_loop3A_23 = arith.index_cast %parallel_loop3A_22 : i32 to index
      %parallel_loop3A_24 = arith.index_cast %parallel_loop3A_21 : i32 to index
      %parallel_loop3A_25 = tpu.vector_load %arg6[%parallel_loop3A_23, %parallel_loop3A_24] {strides = array<i32>} : memref<26x512xi32, #tpu.memory_space<vmem>>, vector<16xi32>,
      %parallel_loop3A_26 = arith.constant 0 : i32
      %parallel_loop3A_27 = vector.broadcast %parallel_loop3A_26 : i32 to vector<16xi32>
      %parallel_loop3A_28 = arith.cmpi slt, %parallel_loop3A_25, %parallel_loop3A_27 : vector<16xi32>
      %parallel_loop3A_29 = arith.constant 16 : i32
      %parallel_loop3A_30 = vector.broadcast %parallel_loop3A_29 : i32 to vector<16xi32>
      %parallel_loop3A_31 = arith.addi %parallel_loop3A_25, %parallel_loop3A_30 : vector<16xi32>
      %parallel_loop3A_32 = arith.select %parallel_loop3A_28, %parallel_loop3A_31, %parallel_loop3A_25 : vector<16xi1>, vector<16xi32>
      %parallel_loop3A_33 = vector.shape_cast %parallel_loop3A_32 : vector<16xi32> to vector<16x1xi32>
      %parallel_loop3A_34 = vector.shape_cast %parallel_loop3A_33 : vector<16x1xi32> to vector<16xi32>
      %parallel_loop3A_35 = tpu.dynamic_gather %exp3A[%parallel_loop3A_34] in [0] : vector<16xf32>, vector<16xi32> -> vector<16xf32>
      %parallel_loop3A_36 = arith.constant 0 : i32
      %parallel_loop3A_37 = vector.broadcast %parallel_loop3A_36 : i32 to vector<16xi32>
      %parallel_loop3A_38 = arith.addi %mul3A_9, %parallel_loop3A_37 : vector<16xi32>
      %parallel_loop3A_39 = tpu.memref_slice %arg7[%parallel_loop3A_19] : memref<13312xf32, #tpu.memory_space<vmem>> -> memref<416xf32, #tpu.memory_space<vmem>>
      tpu.vector_store_idx %parallel_loop3A_39[%parallel_loop3A_38], %parallel_loop3A_35 : memref<416xf32, #tpu.memory_space<vmem>>[vector<16xi32>], vector<16xf32>,
      %parallel_loop3A_40 = arith.constant 16 : i32
      %parallel_loop3A_41 = arith.muli %parallel_loop3A_17, %parallel_loop3A_40 : i32
      %parallel_loop3A_42 = arith.constant 1 : i32
      %parallel_loop3A_43 = arith.index_cast %parallel_loop3A_42 : i32 to index
      %parallel_loop3A_44 = arith.index_cast %parallel_loop3A_41 : i32 to index
      %parallel_loop3A_45 = tpu.vector_load %arg6[%parallel_loop3A_43, %parallel_loop3A_44] {strides = array<i32>} : memref<26x512xi32, #tpu.memory_space<vmem>>, vector<16xi32>,
      %parallel_loop3A_46 = arith.constant 0 : i32
      %parallel_loop3A_47 = vector.broadcast %parallel_loop3A_46 : i32 to vector<16xi32>
      %parallel_loop3A_48 = arith.cmpi slt, %parallel_loop3A_45, %parallel_loop3A_47 : vector<16xi32>
      %parallel_loop3A_49 = arith.constant 16 : i32
      %parallel_loop3A_50 = vector.broadcast %parallel_loop3A_49 : i32 to vector<16xi32>
      %parallel_loop3A_51 = arith.addi %parallel_loop3A_45, %parallel_loop3A_50 : vector<16xi32>
      %parallel_loop3A_52 = arith.select %parallel_loop3A_48, %parallel_loop3A_51, %parallel_loop3A_45 : vector<16xi1>, vector<16xi32>
      %parallel_loop3A_53 = vector.shape_cast %parallel_loop3A_52 : vector<16xi32> to vector<16x1xi32>
      %parallel_loop3A_54 = vector.shape_cast %parallel_loop3A_53 : vector<16x1xi32> to vector<16xi32>
      %parallel_loop3A_55 = tpu.dynamic_gather %exp3A[%parallel_loop3A_54] in [0] : vector<16xf32>, vector<16xi32> -> vector<16xf32>
      %parallel_loop3A_56 = arith.constant 1 : i32
      %parallel_loop3A_57 = vector.broadcast %parallel_loop3A_56 : i32 to vector<16xi32>
      %parallel_loop3A_58 = arith.addi %mul3A_9, %parallel_loop3A_57 : vector<16xi32>
      %parallel_loop3A_59 = tpu.memref_slice %arg7[%parallel_loop3A_19] : memref<13312xf32, #tpu.memory_space<vmem>> -> memref<416xf32, #tpu.memory_space<vmem>>
      tpu.vector_store_idx %parallel_loop3A_59[%parallel_loop3A_58], %parallel_loop3A_55 : memref<416xf32, #tpu.memory_space<vmem>>[vector<16xi32>], vector<16xf32>,
      %parallel_loop3A_60 = arith.constant 16 : i32
      %parallel_loop3A_61 = arith.muli %parallel_loop3A_17, %parallel_loop3A_60 : i32
      %parallel_loop3A_62 = arith.constant 2 : i32
      %parallel_loop3A_63 = arith.index_cast %parallel_loop3A_62 : i32 to index
      %parallel_loop3A_64 = arith.index_cast %parallel_loop3A_61 : i32 to index
      %parallel_loop3A_65 = tpu.vector_load %arg6[%parallel_loop3A_63, %parallel_loop3A_64] {strides = array<i32>} : memref<26x512xi32, #tpu.memory_space<vmem>>, vector<16xi32>,
      %parallel_loop3A_66 = arith.constant 0 : i32
      %parallel_loop3A_67 = vector.broadcast %parallel_loop3A_66 : i32 to vector<16xi32>
      %parallel_loop3A_68 = arith.cmpi slt, %parallel_loop3A_65, %parallel_loop3A_67 : vector<16xi32>
      %parallel_loop3A_69 = arith.constant 16 : i32
      %parallel_loop3A_70 = vector.broadcast %parallel_loop3A_69 : i32 to vector<16xi32>
      %parallel_loop3A_71 = arith.addi %parallel_loop3A_65, %parallel_loop3A_70 : vector<16xi32>
      %parallel_loop3A_72 = arith.select %parallel_loop3A_68, %parallel_loop3A_71, %parallel_loop3A_65 : vector<16xi1>, vector<16xi32>
      %parallel_loop3A_73 = vector.shape_cast %parallel_loop3A_72 : vector<16xi32> to vector<16x1xi32>
      %parallel_loop3A_74 = vector.shape_cast %parallel_loop3A_73 : vector<16x1xi32> to vector<16xi32>
      %parallel_loop3A_75 = tpu.dynamic_gather %exp3A[%parallel_loop3A_74] in [0] : vector<16xf32>, vector<16xi32> -> vector<16xf32>
      %parallel_loop3A_76 = arith.constant 2 : i32
      %parallel_loop3A_77 = vector.broadcast %parallel_loop3A_76 : i32 to vector<16xi32>
      %parallel_loop3A_78 = arith.addi %mul3A_9, %parallel_loop3A_77 : vector<16xi32>
      %parallel_loop3A_79 = tpu.memref_slice %arg7[%parallel_loop3A_19] : memref<13312xf32, #tpu.memory_space<vmem>> -> memref<416xf32, #tpu.memory_space<vmem>>
      tpu.vector_store_idx %parallel_loop3A_79[%parallel_loop3A_78], %parallel_loop3A_75 : memref<416xf32, #tpu.memory_space<vmem>>[vector<16xi32>], vector<16xf32>,
      %parallel_loop3A_80 = arith.constant 16 : i32
      %parallel_loop3A_81 = arith.muli %parallel_loop3A_17, %parallel_loop3A_80 : i32
      %parallel_loop3A_82 = arith.constant 3 : i32
      %parallel_loop3A_83 = arith.index_cast %parallel_loop3A_82 : i32 to index
      %parallel_loop3A_84 = arith.index_cast %parallel_loop3A_81 : i32 to index
      %parallel_loop3A_85 = tpu.vector_load %arg6[%parallel_loop3A_83, %parallel_loop3A_84] {strides = array<i32>} : memref<26x512xi32, #tpu.memory_space<vmem>>, vector<16xi32>,
      %parallel_loop3A_86 = arith.constant 0 : i32
      %parallel_loop3A_87 = vector.broadcast %parallel_loop3A_86 : i32 to vector<16xi32>
      %parallel_loop3A_88 = arith.cmpi slt, %parallel_loop3A_85, %parallel_loop3A_87 : vector<16xi32>
      %parallel_loop3A_89 = arith.constant 16 : i32
      %parallel_loop3A_90 = vector.broadcast %parallel_loop3A_89 : i32 to vector<16xi32>
      %parallel_loop3A_91 = arith.addi %parallel_loop3A_85, %parallel_loop3A_90 : vector<16xi32>
      %parallel_loop3A_92 = arith.select %parallel_loop3A_88, %parallel_loop3A_91, %parallel_loop3A_85 : vector<16xi1>, vector<16xi32>
      %parallel_loop3A_93 = vector.shape_cast %parallel_loop3A_92 : vector<16xi32> to vector<16x1xi32>
      %parallel_loop3A_94 = vector.shape_cast %parallel_loop3A_93 : vector<16x1xi32> to vector<16xi32>
      %parallel_loop3A_95 = tpu.dynamic_gather %exp3A[%parallel_loop3A_94] in [0] : vector<16xf32>, vector<16xi32> -> vector<16xf32>
      %parallel_loop3A_96 = arith.constant 3 : i32
      %parallel_loop3A_97 = vector.broadcast %parallel_loop3A_96 : i32 to vector<16xi32>
      %parallel_loop3A_98 = arith.addi %mul3A_9, %parallel_loop3A_97 : vector<16xi32>
      %parallel_loop3A_99 = tpu.memref_slice %arg7[%parallel_loop3A_19] : memref<13312xf32, #tpu.memory_space<vmem>> -> memref<416xf32, #tpu.memory_space<vmem>>
      tpu.vector_store_idx %parallel_loop3A_99[%parallel_loop3A_98], %parallel_loop3A_95 : memref<416xf32, #tpu.memory_space<vmem>>[vector<16xi32>], vector<16xf32>,
      %parallel_loop3A_100 = arith.constant 16 : i32
      %parallel_loop3A_101 = arith.muli %parallel_loop3A_17, %parallel_loop3A_100 : i32
      %parallel_loop3A_102 = arith.constant 4 : i32
      %parallel_loop3A_103 = arith.index_cast %parallel_loop3A_102 : i32 to index
      %parallel_loop3A_104 = arith.index_cast %parallel_loop3A_101 : i32 to index
      %parallel_loop3A_105 = tpu.vector_load %arg6[%parallel_loop3A_103, %parallel_loop3A_104] {strides = array<i32>} : memref<26x512xi32, #tpu.memory_space<vmem>>, vector<16xi32>,
      %parallel_loop3A_106 = arith.constant 0 : i32
      %parallel_loop3A_107 = vector.broadcast %parallel_loop3A_106 : i32 to vector<16xi32>
      %parallel_loop3A_108 = arith.cmpi slt, %parallel_loop3A_105, %parallel_loop3A_107 : vector<16xi32>
      %parallel_loop3A_109 = arith.constant 16 : i32
      %parallel_loop3A_110 = vector.broadcast %parallel_loop3A_109 : i32 to vector<16xi32>
      %parallel_loop3A_111 = arith.addi %parallel_loop3A_105, %parallel_loop3A_110 : vector<16xi32>
      %parallel_loop3A_112 = arith.select %parallel_loop3A_108, %parallel_loop3A_111, %parallel_loop3A_105 : vector<16xi1>, vector<16xi32>
      %parallel_loop3A_113 = vector.shape_cast %parallel_loop3A_112 : vector<16xi32> to vector<16x1xi32>
      %parallel_loop3A_114 = vector.shape_cast %parallel_loop3A_113 : vector<16x1xi32> to vector<16xi32>
      %parallel_loop3A_115 = tpu.dynamic_gather %exp3A[%parallel_loop3A_114] in [0] : vector<16xf32>, vector<16xi32> -> vector<16xf32>
      %parallel_loop3A_116 = arith.constant 4 : i32
      %parallel_loop3A_117 = vector.broadcast %parallel_loop3A_116 : i32 to vector<16xi32>
      %parallel_loop3A_118 = arith.addi %mul3A_9, %parallel_loop3A_117 : vector<16xi32>
      %parallel_loop3A_119 = tpu.memref_slice %arg7[%parallel_loop3A_19] : memref<13312xf32, #tpu.memory_space<vmem>> -> memref<416xf32, #tpu.memory_space<vmem>>
      tpu.vector_store_idx %parallel_loop3A_119[%parallel_loop3A_118], %parallel_loop3A_115 : memref<416xf32, #tpu.memory_space<vmem>>[vector<16xi32>], vector<16xf32>,
      %parallel_loop3A_120 = arith.constant 16 : i32
      %parallel_loop3A_121 = arith.muli %parallel_loop3A_17, %parallel_loop3A_120 : i32
      %parallel_loop3A_122 = arith.constant 5 : i32
      %parallel_loop3A_123 = arith.index_cast %parallel_loop3A_122 : i32 to index
      %parallel_loop3A_124 = arith.index_cast %parallel_loop3A_121 : i32 to index
      %parallel_loop3A_125 = tpu.vector_load %arg6[%parallel_loop3A_123, %parallel_loop3A_124] {strides = array<i32>} : memref<26x512xi32, #tpu.memory_space<vmem>>, vector<16xi32>,
      %parallel_loop3A_126 = arith.constant 0 : i32
      %parallel_loop3A_127 = vector.broadcast %parallel_loop3A_126 : i32 to vector<16xi32>
      %parallel_loop3A_128 = arith.cmpi slt, %parallel_loop3A_125, %parallel_loop3A_127 : vector<16xi32>
      %parallel_loop3A_129 = arith.constant 16 : i32
      %parallel_loop3A_130 = vector.broadcast %parallel_loop3A_129 : i32 to vector<16xi32>
      %parallel_loop3A_131 = arith.addi %parallel_loop3A_125, %parallel_loop3A_130 : vector<16xi32>
      %parallel_loop3A_132 = arith.select %parallel_loop3A_128, %parallel_loop3A_131, %parallel_loop3A_125 : vector<16xi1>, vector<16xi32>
      %parallel_loop3A_133 = vector.shape_cast %parallel_loop3A_132 : vector<16xi32> to vector<16x1xi32>
      %parallel_loop3A_134 = vector.shape_cast %parallel_loop3A_133 : vector<16x1xi32> to vector<16xi32>
      %parallel_loop3A_135 = tpu.dynamic_gather %exp3A[%parallel_loop3A_134] in [0] : vector<16xf32>, vector<16xi32> -> vector<16xf32>
      %parallel_loop3A_136 = arith.constant 5 : i32
      %parallel_loop3A_137 = vector.broadcast %parallel_loop3A_136 : i32 to vector<16xi32>
      %parallel_loop3A_138 = arith.addi %mul3A_9, %parallel_loop3A_137 : vector<16xi32>
      %parallel_loop3A_139 = tpu.memref_slice %arg7[%parallel_loop3A_19] : memref<13312xf32, #tpu.memory_space<vmem>> -> memref<416xf32, #tpu.memory_space<vmem>>
      tpu.vector_store_idx %parallel_loop3A_139[%parallel_loop3A_138], %parallel_loop3A_135 : memref<416xf32, #tpu.memory_space<vmem>>[vector<16xi32>], vector<16xf32>,
      %parallel_loop3A_140 = arith.constant 16 : i32
      %parallel_loop3A_141 = arith.muli %parallel_loop3A_17, %parallel_loop3A_140 : i32
      %parallel_loop3A_142 = arith.constant 6 : i32
      %parallel_loop3A_143 = arith.index_cast %parallel_loop3A_142 : i32 to index
      %parallel_loop3A_144 = arith.index_cast %parallel_loop3A_141 : i32 to index
      %parallel_loop3A_145 = tpu.vector_load %arg6[%parallel_loop3A_143, %parallel_loop3A_144] {strides = array<i32>} : memref<26x512xi32, #tpu.memory_space<vmem>>, vector<16xi32>,
      %parallel_loop3A_146 = arith.constant 0 : i32
      %parallel_loop3A_147 = vector.broadcast %parallel_loop3A_146 : i32 to vector<16xi32>
      %parallel_loop3A_148 = arith.cmpi slt, %parallel_loop3A_145, %parallel_loop3A_147 : vector<16xi32>
      %parallel_loop3A_149 = arith.constant 16 : i32
      %parallel_loop3A_150 = vector.broadcast %parallel_loop3A_149 : i32 to vector<16xi32>
      %parallel_loop3A_151 = arith.addi %parallel_loop3A_145, %parallel_loop3A_150 : vector<16xi32>
      %parallel_loop3A_152 = arith.select %parallel_loop3A_148, %parallel_loop3A_151, %parallel_loop3A_145 : vector<16xi1>, vector<16xi32>
      %parallel_loop3A_153 = vector.shape_cast %parallel_loop3A_152 : vector<16xi32> to vector<16x1xi32>
      %parallel_loop3A_154 = vector.shape_cast %parallel_loop3A_153 : vector<16x1xi32> to vector<16xi32>
      %parallel_loop3A_155 = tpu.dynamic_gather %exp3A[%parallel_loop3A_154] in [0] : vector<16xf32>, vector<16xi32> -> vector<16xf32>
      %parallel_loop3A_156 = arith.constant 6 : i32
      %parallel_loop3A_157 = vector.broadcast %parallel_loop3A_156 : i32 to vector<16xi32>
      %parallel_loop3A_158 = arith.addi %mul3A_9, %parallel_loop3A_157 : vector<16xi32>
      %parallel_loop3A_159 = tpu.memref_slice %arg7[%parallel_loop3A_19] : memref<13312xf32, #tpu.memory_space<vmem>> -> memref<416xf32, #tpu.memory_space<vmem>>
      tpu.vector_store_idx %parallel_loop3A_159[%parallel_loop3A_158], %parallel_loop3A_155 : memref<416xf32, #tpu.memory_space<vmem>>[vector<16xi32>], vector<16xf32>,
      %parallel_loop3A_160 = arith.constant 16 : i32
      %parallel_loop3A_161 = arith.muli %parallel_loop3A_17, %parallel_loop3A_160 : i32
      %parallel_loop3A_162 = arith.constant 7 : i32
      %parallel_loop3A_163 = arith.index_cast %parallel_loop3A_162 : i32 to index
      %parallel_loop3A_164 = arith.index_cast %parallel_loop3A_161 : i32 to index
      %parallel_loop3A_165 = tpu.vector_load %arg6[%parallel_loop3A_163, %parallel_loop3A_164] {strides = array<i32>} : memref<26x512xi32, #tpu.memory_space<vmem>>, vector<16xi32>,
      %parallel_loop3A_166 = arith.constant 0 : i32
      %parallel_loop3A_167 = vector.broadcast %parallel_loop3A_166 : i32 to vector<16xi32>
      %parallel_loop3A_168 = arith.cmpi slt, %parallel_loop3A_165, %parallel_loop3A_167 : vector<16xi32>
      %parallel_loop3A_169 = arith.constant 16 : i32
      %parallel_loop3A_170 = vector.broadcast %parallel_loop3A_169 : i32 to vector<16xi32>
      %parallel_loop3A_171 = arith.addi %parallel_loop3A_165, %parallel_loop3A_170 : vector<16xi32>
      %parallel_loop3A_172 = arith.select %parallel_loop3A_168, %parallel_loop3A_171, %parallel_loop3A_165 : vector<16xi1>, vector<16xi32>
      %parallel_loop3A_173 = vector.shape_cast %parallel_loop3A_172 : vector<16xi32> to vector<16x1xi32>
      %parallel_loop3A_174 = vector.shape_cast %parallel_loop3A_173 : vector<16x1xi32> to vector<16xi32>
      %parallel_loop3A_175 = tpu.dynamic_gather %exp3A[%parallel_loop3A_174] in [0] : vector<16xf32>, vector<16xi32> -> vector<16xf32>
      %parallel_loop3A_176 = arith.constant 7 : i32
      %parallel_loop3A_177 = vector.broadcast %parallel_loop3A_176 : i32 to vector<16xi32>
      %parallel_loop3A_178 = arith.addi %mul3A_9, %parallel_loop3A_177 : vector<16xi32>
      %parallel_loop3A_179 = tpu.memref_slice %arg7[%parallel_loop3A_19] : memref<13312xf32, #tpu.memory_space<vmem>> -> memref<416xf32, #tpu.memory_space<vmem>>
      tpu.vector_store_idx %parallel_loop3A_179[%parallel_loop3A_178], %parallel_loop3A_175 : memref<416xf32, #tpu.memory_space<vmem>>[vector<16xi32>], vector<16xf32>,
      %parallel_loop3A_180 = arith.constant 16 : i32
      %parallel_loop3A_181 = arith.muli %parallel_loop3A_17, %parallel_loop3A_180 : i32
      %parallel_loop3A_182 = arith.constant 8 : i32
      %parallel_loop3A_183 = arith.index_cast %parallel_loop3A_182 : i32 to index
      %parallel_loop3A_184 = arith.index_cast %parallel_loop3A_181 : i32 to index
      %parallel_loop3A_185 = tpu.vector_load %arg6[%parallel_loop3A_183, %parallel_loop3A_184] {strides = array<i32>} : memref<26x512xi32, #tpu.memory_space<vmem>>, vector<16xi32>,
      %parallel_loop3A_186 = arith.constant 0 : i32
      %parallel_loop3A_187 = vector.broadcast %parallel_loop3A_186 : i32 to vector<16xi32>
      %parallel_loop3A_188 = arith.cmpi slt, %parallel_loop3A_185, %parallel_loop3A_187 : vector<16xi32>
      %parallel_loop3A_189 = arith.constant 16 : i32
      %parallel_loop3A_190 = vector.broadcast %parallel_loop3A_189 : i32 to vector<16xi32>
      %parallel_loop3A_191 = arith.addi %parallel_loop3A_185, %parallel_loop3A_190 : vector<16xi32>
      %parallel_loop3A_192 = arith.select %parallel_loop3A_188, %parallel_loop3A_191, %parallel_loop3A_185 : vector<16xi1>, vector<16xi32>
      %parallel_loop3A_193 = vector.shape_cast %parallel_loop3A_192 : vector<16xi32> to vector<16x1xi32>
      %parallel_loop3A_194 = vector.shape_cast %parallel_loop3A_193 : vector<16x1xi32> to vector<16xi32>
      %parallel_loop3A_195 = tpu.dynamic_gather %exp3A[%parallel_loop3A_194] in [0] : vector<16xf32>, vector<16xi32> -> vector<16xf32>
      %parallel_loop3A_196 = arith.constant 8 : i32
      %parallel_loop3A_197 = vector.broadcast %parallel_loop3A_196 : i32 to vector<16xi32>
      %parallel_loop3A_198 = arith.addi %mul3A_9, %parallel_loop3A_197 : vector<16xi32>
      %parallel_loop3A_199 = tpu.memref_slice %arg7[%parallel_loop3A_19] : memref<13312xf32, #tpu.memory_space<vmem>> -> memref<416xf32, #tpu.memory_space<vmem>>
      tpu.vector_store_idx %parallel_loop3A_199[%parallel_loop3A_198], %parallel_loop3A_195 : memref<416xf32, #tpu.memory_space<vmem>>[vector<16xi32>], vector<16xf32>,
      %parallel_loop3A_200 = arith.constant 16 : i32
      %parallel_loop3A_201 = arith.muli %parallel_loop3A_17, %parallel_loop3A_200 : i32
      %parallel_loop3A_202 = arith.constant 9 : i32
      %parallel_loop3A_203 = arith.index_cast %parallel_loop3A_202 : i32 to index
      %parallel_loop3A_204 = arith.index_cast %parallel_loop3A_201 : i32 to index
      %parallel_loop3A_205 = tpu.vector_load %arg6[%parallel_loop3A_203, %parallel_loop3A_204] {strides = array<i32>} : memref<26x512xi32, #tpu.memory_space<vmem>>, vector<16xi32>,
      %parallel_loop3A_206 = arith.constant 0 : i32
      %parallel_loop3A_207 = vector.broadcast %parallel_loop3A_206 : i32 to vector<16xi32>
      %parallel_loop3A_208 = arith.cmpi slt, %parallel_loop3A_205, %parallel_loop3A_207 : vector<16xi32>
      %parallel_loop3A_209 = arith.constant 16 : i32
      %parallel_loop3A_210 = vector.broadcast %parallel_loop3A_209 : i32 to vector<16xi32>
      %parallel_loop3A_211 = arith.addi %parallel_loop3A_205, %parallel_loop3A_210 : vector<16xi32>
      %parallel_loop3A_212 = arith.select %parallel_loop3A_208, %parallel_loop3A_211, %parallel_loop3A_205 : vector<16xi1>, vector<16xi32>
      %parallel_loop3A_213 = vector.shape_cast %parallel_loop3A_212 : vector<16xi32> to vector<16x1xi32>
      %parallel_loop3A_214 = vector.shape_cast %parallel_loop3A_213 : vector<16x1xi32> to vector<16xi32>
      %parallel_loop3A_215 = tpu.dynamic_gather %exp3A[%parallel_loop3A_214] in [0] : vector<16xf32>, vector<16xi32> -> vector<16xf32>
      %parallel_loop3A_216 = arith.constant 9 : i32
      %parallel_loop3A_217 = vector.broadcast %parallel_loop3A_216 : i32 to vector<16xi32>
      %parallel_loop3A_218 = arith.addi %mul3A_9, %parallel_loop3A_217 : vector<16xi32>
      %parallel_loop3A_219 = tpu.memref_slice %arg7[%parallel_loop3A_19] : memref<13312xf32, #tpu.memory_space<vmem>> -> memref<416xf32, #tpu.memory_space<vmem>>
      tpu.vector_store_idx %parallel_loop3A_219[%parallel_loop3A_218], %parallel_loop3A_215 : memref<416xf32, #tpu.memory_space<vmem>>[vector<16xi32>], vector<16xf32>,
      %parallel_loop3A_220 = arith.constant 16 : i32
      %parallel_loop3A_221 = arith.muli %parallel_loop3A_17, %parallel_loop3A_220 : i32
      %parallel_loop3A_222 = arith.constant 10 : i32
      %parallel_loop3A_223 = arith.index_cast %parallel_loop3A_222 : i32 to index
      %parallel_loop3A_224 = arith.index_cast %parallel_loop3A_221 : i32 to index
      %parallel_loop3A_225 = tpu.vector_load %arg6[%parallel_loop3A_223, %parallel_loop3A_224] {strides = array<i32>} : memref<26x512xi32, #tpu.memory_space<vmem>>, vector<16xi32>,
      %parallel_loop3A_226 = arith.constant 0 : i32
      %parallel_loop3A_227 = vector.broadcast %parallel_loop3A_226 : i32 to vector<16xi32>
      %parallel_loop3A_228 = arith.cmpi slt, %parallel_loop3A_225, %parallel_loop3A_227 : vector<16xi32>
      %parallel_loop3A_229 = arith.constant 16 : i32
      %parallel_loop3A_230 = vector.broadcast %parallel_loop3A_229 : i32 to vector<16xi32>
      %parallel_loop3A_231 = arith.addi %parallel_loop3A_225, %parallel_loop3A_230 : vector<16xi32>
      %parallel_loop3A_232 = arith.select %parallel_loop3A_228, %parallel_loop3A_231, %parallel_loop3A_225 : vector<16xi1>, vector<16xi32>
      %parallel_loop3A_233 = vector.shape_cast %parallel_loop3A_232 : vector<16xi32> to vector<16x1xi32>
      %parallel_loop3A_234 = vector.shape_cast %parallel_loop3A_233 : vector<16x1xi32> to vector<16xi32>
      %parallel_loop3A_235 = tpu.dynamic_gather %exp3A[%parallel_loop3A_234] in [0] : vector<16xf32>, vector<16xi32> -> vector<16xf32>
      %parallel_loop3A_236 = arith.constant 10 : i32
      %parallel_loop3A_237 = vector.broadcast %parallel_loop3A_236 : i32 to vector<16xi32>
      %parallel_loop3A_238 = arith.addi %mul3A_9, %parallel_loop3A_237 : vector<16xi32>
      %parallel_loop3A_239 = tpu.memref_slice %arg7[%parallel_loop3A_19] : memref<13312xf32, #tpu.memory_space<vmem>> -> memref<416xf32, #tpu.memory_space<vmem>>
      tpu.vector_store_idx %parallel_loop3A_239[%parallel_loop3A_238], %parallel_loop3A_235 : memref<416xf32, #tpu.memory_space<vmem>>[vector<16xi32>], vector<16xf32>,
      %parallel_loop3A_240 = arith.constant 16 : i32
      %parallel_loop3A_241 = arith.muli %parallel_loop3A_17, %parallel_loop3A_240 : i32
      %parallel_loop3A_242 = arith.constant 11 : i32
      %parallel_loop3A_243 = arith.index_cast %parallel_loop3A_242 : i32 to index
      %parallel_loop3A_244 = arith.index_cast %parallel_loop3A_241 : i32 to index
      %parallel_loop3A_245 = tpu.vector_load %arg6[%parallel_loop3A_243, %parallel_loop3A_244] {strides = array<i32>} : memref<26x512xi32, #tpu.memory_space<vmem>>, vector<16xi32>,
      %parallel_loop3A_246 = arith.constant 0 : i32
      %parallel_loop3A_247 = vector.broadcast %parallel_loop3A_246 : i32 to vector<16xi32>
      %parallel_loop3A_248 = arith.cmpi slt, %parallel_loop3A_245, %parallel_loop3A_247 : vector<16xi32>
      %parallel_loop3A_249 = arith.constant 16 : i32
      %parallel_loop3A_250 = vector.broadcast %parallel_loop3A_249 : i32 to vector<16xi32>
      %parallel_loop3A_251 = arith.addi %parallel_loop3A_245, %parallel_loop3A_250 : vector<16xi32>
      %parallel_loop3A_252 = arith.select %parallel_loop3A_248, %parallel_loop3A_251, %parallel_loop3A_245 : vector<16xi1>, vector<16xi32>
      %parallel_loop3A_253 = vector.shape_cast %parallel_loop3A_252 : vector<16xi32> to vector<16x1xi32>
      %parallel_loop3A_254 = vector.shape_cast %parallel_loop3A_253 : vector<16x1xi32> to vector<16xi32>
      %parallel_loop3A_255 = tpu.dynamic_gather %exp3A[%parallel_loop3A_254] in [0] : vector<16xf32>, vector<16xi32> -> vector<16xf32>
      %parallel_loop3A_256 = arith.constant 11 : i32
      %parallel_loop3A_257 = vector.broadcast %parallel_loop3A_256 : i32 to vector<16xi32>
      %parallel_loop3A_258 = arith.addi %mul3A_9, %parallel_loop3A_257 : vector<16xi32>
      %parallel_loop3A_259 = tpu.memref_slice %arg7[%parallel_loop3A_19] : memref<13312xf32, #tpu.memory_space<vmem>> -> memref<416xf32, #tpu.memory_space<vmem>>
      tpu.vector_store_idx %parallel_loop3A_259[%parallel_loop3A_258], %parallel_loop3A_255 : memref<416xf32, #tpu.memory_space<vmem>>[vector<16xi32>], vector<16xf32>,
      %parallel_loop3A_260 = arith.constant 16 : i32
      %parallel_loop3A_261 = arith.muli %parallel_loop3A_17, %parallel_loop3A_260 : i32
      %parallel_loop3A_262 = arith.constant 12 : i32
      %parallel_loop3A_263 = arith.index_cast %parallel_loop3A_262 : i32 to index
      %parallel_loop3A_264 = arith.index_cast %parallel_loop3A_261 : i32 to index
      %parallel_loop3A_265 = tpu.vector_load %arg6[%parallel_loop3A_263, %parallel_loop3A_264] {strides = array<i32>} : memref<26x512xi32, #tpu.memory_space<vmem>>, vector<16xi32>,
      %parallel_loop3A_266 = arith.constant 0 : i32
      %parallel_loop3A_267 = vector.broadcast %parallel_loop3A_266 : i32 to vector<16xi32>
      %parallel_loop3A_268 = arith.cmpi slt, %parallel_loop3A_265, %parallel_loop3A_267 : vector<16xi32>
      %parallel_loop3A_269 = arith.constant 16 : i32
      %parallel_loop3A_270 = vector.broadcast %parallel_loop3A_269 : i32 to vector<16xi32>
      %parallel_loop3A_271 = arith.addi %parallel_loop3A_265, %parallel_loop3A_270 : vector<16xi32>
      %parallel_loop3A_272 = arith.select %parallel_loop3A_268, %parallel_loop3A_271, %parallel_loop3A_265 : vector<16xi1>, vector<16xi32>
      %parallel_loop3A_273 = vector.shape_cast %parallel_loop3A_272 : vector<16xi32> to vector<16x1xi32>
      %parallel_loop3A_274 = vector.shape_cast %parallel_loop3A_273 : vector<16x1xi32> to vector<16xi32>
      %parallel_loop3A_275 = tpu.dynamic_gather %exp3A[%parallel_loop3A_274] in [0] : vector<16xf32>, vector<16xi32> -> vector<16xf32>
      %parallel_loop3A_276 = arith.constant 12 : i32
      %parallel_loop3A_277 = vector.broadcast %parallel_loop3A_276 : i32 to vector<16xi32>
      %parallel_loop3A_278 = arith.addi %mul3A_9, %parallel_loop3A_277 : vector<16xi32>
      %parallel_loop3A_279 = tpu.memref_slice %arg7[%parallel_loop3A_19] : memref<13312xf32, #tpu.memory_space<vmem>> -> memref<416xf32, #tpu.memory_space<vmem>>
      tpu.vector_store_idx %parallel_loop3A_279[%parallel_loop3A_278], %parallel_loop3A_275 : memref<416xf32, #tpu.memory_space<vmem>>[vector<16xi32>], vector<16xf32>,
      %parallel_loop3A_280 = arith.constant 16 : i32
      %parallel_loop3A_281 = arith.muli %parallel_loop3A_17, %parallel_loop3A_280 : i32
      %parallel_loop3A_282 = arith.constant 13 : i32
      %parallel_loop3A_283 = arith.index_cast %parallel_loop3A_282 : i32 to index
      %parallel_loop3A_284 = arith.index_cast %parallel_loop3A_281 : i32 to index
      %parallel_loop3A_285 = tpu.vector_load %arg6[%parallel_loop3A_283, %parallel_loop3A_284] {strides = array<i32>} : memref<26x512xi32, #tpu.memory_space<vmem>>, vector<16xi32>,
      %parallel_loop3A_286 = arith.constant 0 : i32
      %parallel_loop3A_287 = vector.broadcast %parallel_loop3A_286 : i32 to vector<16xi32>
      %parallel_loop3A_288 = arith.cmpi slt, %parallel_loop3A_285, %parallel_loop3A_287 : vector<16xi32>
      %parallel_loop3A_289 = arith.constant 16 : i32
      %parallel_loop3A_290 = vector.broadcast %parallel_loop3A_289 : i32 to vector<16xi32>
      %parallel_loop3A_291 = arith.addi %parallel_loop3A_285, %parallel_loop3A_290 : vector<16xi32>
      %parallel_loop3A_292 = arith.select %parallel_loop3A_288, %parallel_loop3A_291, %parallel_loop3A_285 : vector<16xi1>, vector<16xi32>
      %parallel_loop3A_293 = vector.shape_cast %parallel_loop3A_292 : vector<16xi32> to vector<16x1xi32>
      %parallel_loop3A_294 = vector.shape_cast %parallel_loop3A_293 : vector<16x1xi32> to vector<16xi32>
      %parallel_loop3A_295 = tpu.dynamic_gather %exp3A[%parallel_loop3A_294] in [0] : vector<16xf32>, vector<16xi32> -> vector<16xf32>
      %parallel_loop3A_296 = arith.constant 13 : i32
      %parallel_loop3A_297 = vector.broadcast %parallel_loop3A_296 : i32 to vector<16xi32>
      %parallel_loop3A_298 = arith.addi %mul3A_9, %parallel_loop3A_297 : vector<16xi32>
      %parallel_loop3A_299 = tpu.memref_slice %arg7[%parallel_loop3A_19] : memref<13312xf32, #tpu.memory_space<vmem>> -> memref<416xf32, #tpu.memory_space<vmem>>
      tpu.vector_store_idx %parallel_loop3A_299[%parallel_loop3A_298], %parallel_loop3A_295 : memref<416xf32, #tpu.memory_space<vmem>>[vector<16xi32>], vector<16xf32>,
      %parallel_loop3A_300 = arith.constant 16 : i32
      %parallel_loop3A_301 = arith.muli %parallel_loop3A_17, %parallel_loop3A_300 : i32
      %parallel_loop3A_302 = arith.constant 14 : i32
      %parallel_loop3A_303 = arith.index_cast %parallel_loop3A_302 : i32 to index
      %parallel_loop3A_304 = arith.index_cast %parallel_loop3A_301 : i32 to index
      %parallel_loop3A_305 = tpu.vector_load %arg6[%parallel_loop3A_303, %parallel_loop3A_304] {strides = array<i32>} : memref<26x512xi32, #tpu.memory_space<vmem>>, vector<16xi32>,
      %parallel_loop3A_306 = arith.constant 0 : i32
      %parallel_loop3A_307 = vector.broadcast %parallel_loop3A_306 : i32 to vector<16xi32>
      %parallel_loop3A_308 = arith.cmpi slt, %parallel_loop3A_305, %parallel_loop3A_307 : vector<16xi32>
      %parallel_loop3A_309 = arith.constant 16 : i32
      %parallel_loop3A_310 = vector.broadcast %parallel_loop3A_309 : i32 to vector<16xi32>
      %parallel_loop3A_311 = arith.addi %parallel_loop3A_305, %parallel_loop3A_310 : vector<16xi32>
      %parallel_loop3A_312 = arith.select %parallel_loop3A_308, %parallel_loop3A_311, %parallel_loop3A_305 : vector<16xi1>, vector<16xi32>
      %parallel_loop3A_313 = vector.shape_cast %parallel_loop3A_312 : vector<16xi32> to vector<16x1xi32>
      %parallel_loop3A_314 = vector.shape_cast %parallel_loop3A_313 : vector<16x1xi32> to vector<16xi32>
      %parallel_loop3A_315 = tpu.dynamic_gather %exp3A[%parallel_loop3A_314] in [0] : vector<16xf32>, vector<16xi32> -> vector<16xf32>
      %parallel_loop3A_316 = arith.constant 14 : i32
      %parallel_loop3A_317 = vector.broadcast %parallel_loop3A_316 : i32 to vector<16xi32>
      %parallel_loop3A_318 = arith.addi %mul3A_9, %parallel_loop3A_317 : vector<16xi32>
      %parallel_loop3A_319 = tpu.memref_slice %arg7[%parallel_loop3A_19] : memref<13312xf32, #tpu.memory_space<vmem>> -> memref<416xf32, #tpu.memory_space<vmem>>
      tpu.vector_store_idx %parallel_loop3A_319[%parallel_loop3A_318], %parallel_loop3A_315 : memref<416xf32, #tpu.memory_space<vmem>>[vector<16xi32>], vector<16xf32>,
      %parallel_loop3A_320 = arith.constant 16 : i32
      %parallel_loop3A_321 = arith.muli %parallel_loop3A_17, %parallel_loop3A_320 : i32
      %parallel_loop3A_322 = arith.constant 15 : i32
      %parallel_loop3A_323 = arith.index_cast %parallel_loop3A_322 : i32 to index
      %parallel_loop3A_324 = arith.index_cast %parallel_loop3A_321 : i32 to index
      %parallel_loop3A_325 = tpu.vector_load %arg6[%parallel_loop3A_323, %parallel_loop3A_324] {strides = array<i32>} : memref<26x512xi32, #tpu.memory_space<vmem>>, vector<16xi32>,
      %parallel_loop3A_326 = arith.constant 0 : i32
      %parallel_loop3A_327 = vector.broadcast %parallel_loop3A_326 : i32 to vector<16xi32>
      %parallel_loop3A_328 = arith.cmpi slt, %parallel_loop3A_325, %parallel_loop3A_327 : vector<16xi32>
      %parallel_loop3A_329 = arith.constant 16 : i32
      %parallel_loop3A_330 = vector.broadcast %parallel_loop3A_329 : i32 to vector<16xi32>
      %parallel_loop3A_331 = arith.addi %parallel_loop3A_325, %parallel_loop3A_330 : vector<16xi32>
      %parallel_loop3A_332 = arith.select %parallel_loop3A_328, %parallel_loop3A_331, %parallel_loop3A_325 : vector<16xi1>, vector<16xi32>
      %parallel_loop3A_333 = vector.shape_cast %parallel_loop3A_332 : vector<16xi32> to vector<16x1xi32>
      %parallel_loop3A_334 = vector.shape_cast %parallel_loop3A_333 : vector<16x1xi32> to vector<16xi32>
      %parallel_loop3A_335 = tpu.dynamic_gather %exp3A[%parallel_loop3A_334] in [0] : vector<16xf32>, vector<16xi32> -> vector<16xf32>
      %parallel_loop3A_336 = arith.constant 15 : i32
      %parallel_loop3A_337 = vector.broadcast %parallel_loop3A_336 : i32 to vector<16xi32>
      %parallel_loop3A_338 = arith.addi %mul3A_9, %parallel_loop3A_337 : vector<16xi32>
      %parallel_loop3A_339 = tpu.memref_slice %arg7[%parallel_loop3A_19] : memref<13312xf32, #tpu.memory_space<vmem>> -> memref<416xf32, #tpu.memory_space<vmem>>
      tpu.vector_store_idx %parallel_loop3A_339[%parallel_loop3A_338], %parallel_loop3A_335 : memref<416xf32, #tpu.memory_space<vmem>>[vector<16xi32>], vector<16xf32>,
      %parallel_loop3A_340 = arith.constant 16 : i32
      %parallel_loop3A_341 = arith.muli %parallel_loop3A_17, %parallel_loop3A_340 : i32
      %parallel_loop3A_342 = arith.constant 16 : i32
      %parallel_loop3A_343 = arith.index_cast %parallel_loop3A_342 : i32 to index
      %parallel_loop3A_344 = arith.index_cast %parallel_loop3A_341 : i32 to index
      %parallel_loop3A_345 = tpu.vector_load %arg6[%parallel_loop3A_343, %parallel_loop3A_344] {strides = array<i32>} : memref<26x512xi32, #tpu.memory_space<vmem>>, vector<16xi32>,
      %parallel_loop3A_346 = arith.constant 0 : i32
      %parallel_loop3A_347 = vector.broadcast %parallel_loop3A_346 : i32 to vector<16xi32>
      %parallel_loop3A_348 = arith.cmpi slt, %parallel_loop3A_345, %parallel_loop3A_347 : vector<16xi32>
      %parallel_loop3A_349 = arith.constant 16 : i32
      %parallel_loop3A_350 = vector.broadcast %parallel_loop3A_349 : i32 to vector<16xi32>
      %parallel_loop3A_351 = arith.addi %parallel_loop3A_345, %parallel_loop3A_350 : vector<16xi32>
      %parallel_loop3A_352 = arith.select %parallel_loop3A_348, %parallel_loop3A_351, %parallel_loop3A_345 : vector<16xi1>, vector<16xi32>
      %parallel_loop3A_353 = vector.shape_cast %parallel_loop3A_352 : vector<16xi32> to vector<16x1xi32>
      %parallel_loop3A_354 = vector.shape_cast %parallel_loop3A_353 : vector<16x1xi32> to vector<16xi32>
      %parallel_loop3A_355 = tpu.dynamic_gather %exp3A[%parallel_loop3A_354] in [0] : vector<16xf32>, vector<16xi32> -> vector<16xf32>
      %parallel_loop3A_356 = arith.constant 16 : i32
      %parallel_loop3A_357 = vector.broadcast %parallel_loop3A_356 : i32 to vector<16xi32>
      %parallel_loop3A_358 = arith.addi %mul3A_9, %parallel_loop3A_357 : vector<16xi32>
      %parallel_loop3A_359 = tpu.memref_slice %arg7[%parallel_loop3A_19] : memref<13312xf32, #tpu.memory_space<vmem>> -> memref<416xf32, #tpu.memory_space<vmem>>
      tpu.vector_store_idx %parallel_loop3A_359[%parallel_loop3A_358], %parallel_loop3A_355 : memref<416xf32, #tpu.memory_space<vmem>>[vector<16xi32>], vector<16xf32>,
      %parallel_loop3A_360 = arith.constant 16 : i32
      %parallel_loop3A_361 = arith.muli %parallel_loop3A_17, %parallel_loop3A_360 : i32
      %parallel_loop3A_362 = arith.constant 17 : i32
      %parallel_loop3A_363 = arith.index_cast %parallel_loop3A_362 : i32 to index
      %parallel_loop3A_364 = arith.index_cast %parallel_loop3A_361 : i32 to index
      %parallel_loop3A_365 = tpu.vector_load %arg6[%parallel_loop3A_363, %parallel_loop3A_364] {strides = array<i32>} : memref<26x512xi32, #tpu.memory_space<vmem>>, vector<16xi32>,
      %parallel_loop3A_366 = arith.constant 0 : i32
      %parallel_loop3A_367 = vector.broadcast %parallel_loop3A_366 : i32 to vector<16xi32>
      %parallel_loop3A_368 = arith.cmpi slt, %parallel_loop3A_365, %parallel_loop3A_367 : vector<16xi32>
      %parallel_loop3A_369 = arith.constant 16 : i32
      %parallel_loop3A_370 = vector.broadcast %parallel_loop3A_369 : i32 to vector<16xi32>
      %parallel_loop3A_371 = arith.addi %parallel_loop3A_365, %parallel_loop3A_370 : vector<16xi32>
      %parallel_loop3A_372 = arith.select %parallel_loop3A_368, %parallel_loop3A_371, %parallel_loop3A_365 : vector<16xi1>, vector<16xi32>
      %parallel_loop3A_373 = vector.shape_cast %parallel_loop3A_372 : vector<16xi32> to vector<16x1xi32>
      %parallel_loop3A_374 = vector.shape_cast %parallel_loop3A_373 : vector<16x1xi32> to vector<16xi32>
      %parallel_loop3A_375 = tpu.dynamic_gather %exp3A[%parallel_loop3A_374] in [0] : vector<16xf32>, vector<16xi32> -> vector<16xf32>
      %parallel_loop3A_376 = arith.constant 17 : i32
      %parallel_loop3A_377 = vector.broadcast %parallel_loop3A_376 : i32 to vector<16xi32>
      %parallel_loop3A_378 = arith.addi %mul3A_9, %parallel_loop3A_377 : vector<16xi32>
      %parallel_loop3A_379 = tpu.memref_slice %arg7[%parallel_loop3A_19] : memref<13312xf32, #tpu.memory_space<vmem>> -> memref<416xf32, #tpu.memory_space<vmem>>
      tpu.vector_store_idx %parallel_loop3A_379[%parallel_loop3A_378], %parallel_loop3A_375 : memref<416xf32, #tpu.memory_space<vmem>>[vector<16xi32>], vector<16xf32>,
      %parallel_loop3A_380 = arith.constant 16 : i32
      %parallel_loop3A_381 = arith.muli %parallel_loop3A_17, %parallel_loop3A_380 : i32
      %parallel_loop3A_382 = arith.constant 18 : i32
      %parallel_loop3A_383 = arith.index_cast %parallel_loop3A_382 : i32 to index
      %parallel_loop3A_384 = arith.index_cast %parallel_loop3A_381 : i32 to index
      %parallel_loop3A_385 = tpu.vector_load %arg6[%parallel_loop3A_383, %parallel_loop3A_384] {strides = array<i32>} : memref<26x512xi32, #tpu.memory_space<vmem>>, vector<16xi32>,
      %parallel_loop3A_386 = arith.constant 0 : i32
      %parallel_loop3A_387 = vector.broadcast %parallel_loop3A_386 : i32 to vector<16xi32>
      %parallel_loop3A_388 = arith.cmpi slt, %parallel_loop3A_385, %parallel_loop3A_387 : vector<16xi32>
      %parallel_loop3A_389 = arith.constant 16 : i32
      %parallel_loop3A_390 = vector.broadcast %parallel_loop3A_389 : i32 to vector<16xi32>
      %parallel_loop3A_391 = arith.addi %parallel_loop3A_385, %parallel_loop3A_390 : vector<16xi32>
      %parallel_loop3A_392 = arith.select %parallel_loop3A_388, %parallel_loop3A_391, %parallel_loop3A_385 : vector<16xi1>, vector<16xi32>
      %parallel_loop3A_393 = vector.shape_cast %parallel_loop3A_392 : vector<16xi32> to vector<16x1xi32>
      %parallel_loop3A_394 = vector.shape_cast %parallel_loop3A_393 : vector<16x1xi32> to vector<16xi32>
      %parallel_loop3A_395 = tpu.dynamic_gather %exp3A[%parallel_loop3A_394] in [0] : vector<16xf32>, vector<16xi32> -> vector<16xf32>
      %parallel_loop3A_396 = arith.constant 18 : i32
      %parallel_loop3A_397 = vector.broadcast %parallel_loop3A_396 : i32 to vector<16xi32>
      %parallel_loop3A_398 = arith.addi %mul3A_9, %parallel_loop3A_397 : vector<16xi32>
      %parallel_loop3A_399 = tpu.memref_slice %arg7[%parallel_loop3A_19] : memref<13312xf32, #tpu.memory_space<vmem>> -> memref<416xf32, #tpu.memory_space<vmem>>
      tpu.vector_store_idx %parallel_loop3A_399[%parallel_loop3A_398], %parallel_loop3A_395 : memref<416xf32, #tpu.memory_space<vmem>>[vector<16xi32>], vector<16xf32>,
      %parallel_loop3A_400 = arith.constant 16 : i32
      %parallel_loop3A_401 = arith.muli %parallel_loop3A_17, %parallel_loop3A_400 : i32
      %parallel_loop3A_402 = arith.constant 19 : i32
      %parallel_loop3A_403 = arith.index_cast %parallel_loop3A_402 : i32 to index
      %parallel_loop3A_404 = arith.index_cast %parallel_loop3A_401 : i32 to index
      %parallel_loop3A_405 = tpu.vector_load %arg6[%parallel_loop3A_403, %parallel_loop3A_404] {strides = array<i32>} : memref<26x512xi32, #tpu.memory_space<vmem>>, vector<16xi32>,
      %parallel_loop3A_406 = arith.constant 0 : i32
      %parallel_loop3A_407 = vector.broadcast %parallel_loop3A_406 : i32 to vector<16xi32>
      %parallel_loop3A_408 = arith.cmpi slt, %parallel_loop3A_405, %parallel_loop3A_407 : vector<16xi32>
      %parallel_loop3A_409 = arith.constant 16 : i32
      %parallel_loop3A_410 = vector.broadcast %parallel_loop3A_409 : i32 to vector<16xi32>
      %parallel_loop3A_411 = arith.addi %parallel_loop3A_405, %parallel_loop3A_410 : vector<16xi32>
      %parallel_loop3A_412 = arith.select %parallel_loop3A_408, %parallel_loop3A_411, %parallel_loop3A_405 : vector<16xi1>, vector<16xi32>
      %parallel_loop3A_413 = vector.shape_cast %parallel_loop3A_412 : vector<16xi32> to vector<16x1xi32>
      %parallel_loop3A_414 = vector.shape_cast %parallel_loop3A_413 : vector<16x1xi32> to vector<16xi32>
      %parallel_loop3A_415 = tpu.dynamic_gather %exp3A[%parallel_loop3A_414] in [0] : vector<16xf32>, vector<16xi32> -> vector<16xf32>
      %parallel_loop3A_416 = arith.constant 19 : i32
      %parallel_loop3A_417 = vector.broadcast %parallel_loop3A_416 : i32 to vector<16xi32>
      %parallel_loop3A_418 = arith.addi %mul3A_9, %parallel_loop3A_417 : vector<16xi32>
      %parallel_loop3A_419 = tpu.memref_slice %arg7[%parallel_loop3A_19] : memref<13312xf32, #tpu.memory_space<vmem>> -> memref<416xf32, #tpu.memory_space<vmem>>
      tpu.vector_store_idx %parallel_loop3A_419[%parallel_loop3A_418], %parallel_loop3A_415 : memref<416xf32, #tpu.memory_space<vmem>>[vector<16xi32>], vector<16xf32>,
      %parallel_loop3A_420 = arith.constant 16 : i32
      %parallel_loop3A_421 = arith.muli %parallel_loop3A_17, %parallel_loop3A_420 : i32
      %parallel_loop3A_422 = arith.constant 20 : i32
      %parallel_loop3A_423 = arith.index_cast %parallel_loop3A_422 : i32 to index
      %parallel_loop3A_424 = arith.index_cast %parallel_loop3A_421 : i32 to index
      %parallel_loop3A_425 = tpu.vector_load %arg6[%parallel_loop3A_423, %parallel_loop3A_424] {strides = array<i32>} : memref<26x512xi32, #tpu.memory_space<vmem>>, vector<16xi32>,
      %parallel_loop3A_426 = arith.constant 0 : i32
      %parallel_loop3A_427 = vector.broadcast %parallel_loop3A_426 : i32 to vector<16xi32>
      %parallel_loop3A_428 = arith.cmpi slt, %parallel_loop3A_425, %parallel_loop3A_427 : vector<16xi32>
      %parallel_loop3A_429 = arith.constant 16 : i32
      %parallel_loop3A_430 = vector.broadcast %parallel_loop3A_429 : i32 to vector<16xi32>
      %parallel_loop3A_431 = arith.addi %parallel_loop3A_425, %parallel_loop3A_430 : vector<16xi32>
      %parallel_loop3A_432 = arith.select %parallel_loop3A_428, %parallel_loop3A_431, %parallel_loop3A_425 : vector<16xi1>, vector<16xi32>
      %parallel_loop3A_433 = vector.shape_cast %parallel_loop3A_432 : vector<16xi32> to vector<16x1xi32>
      %parallel_loop3A_434 = vector.shape_cast %parallel_loop3A_433 : vector<16x1xi32> to vector<16xi32>
      %parallel_loop3A_435 = tpu.dynamic_gather %exp3A[%parallel_loop3A_434] in [0] : vector<16xf32>, vector<16xi32> -> vector<16xf32>
      %parallel_loop3A_436 = arith.constant 20 : i32
      %parallel_loop3A_437 = vector.broadcast %parallel_loop3A_436 : i32 to vector<16xi32>
      %parallel_loop3A_438 = arith.addi %mul3A_9, %parallel_loop3A_437 : vector<16xi32>
      %parallel_loop3A_439 = tpu.memref_slice %arg7[%parallel_loop3A_19] : memref<13312xf32, #tpu.memory_space<vmem>> -> memref<416xf32, #tpu.memory_space<vmem>>
      tpu.vector_store_idx %parallel_loop3A_439[%parallel_loop3A_438], %parallel_loop3A_435 : memref<416xf32, #tpu.memory_space<vmem>>[vector<16xi32>], vector<16xf32>,
      %parallel_loop3A_440 = arith.constant 16 : i32
      %parallel_loop3A_441 = arith.muli %parallel_loop3A_17, %parallel_loop3A_440 : i32
      %parallel_loop3A_442 = arith.constant 21 : i32
      %parallel_loop3A_443 = arith.index_cast %parallel_loop3A_442 : i32 to index
      %parallel_loop3A_444 = arith.index_cast %parallel_loop3A_441 : i32 to index
      %parallel_loop3A_445 = tpu.vector_load %arg6[%parallel_loop3A_443, %parallel_loop3A_444] {strides = array<i32>} : memref<26x512xi32, #tpu.memory_space<vmem>>, vector<16xi32>,
      %parallel_loop3A_446 = arith.constant 0 : i32
      %parallel_loop3A_447 = vector.broadcast %parallel_loop3A_446 : i32 to vector<16xi32>
      %parallel_loop3A_448 = arith.cmpi slt, %parallel_loop3A_445, %parallel_loop3A_447 : vector<16xi32>
      %parallel_loop3A_449 = arith.constant 16 : i32
      %parallel_loop3A_450 = vector.broadcast %parallel_loop3A_449 : i32 to vector<16xi32>
      %parallel_loop3A_451 = arith.addi %parallel_loop3A_445, %parallel_loop3A_450 : vector<16xi32>
      %parallel_loop3A_452 = arith.select %parallel_loop3A_448, %parallel_loop3A_451, %parallel_loop3A_445 : vector<16xi1>, vector<16xi32>
      %parallel_loop3A_453 = vector.shape_cast %parallel_loop3A_452 : vector<16xi32> to vector<16x1xi32>
      %parallel_loop3A_454 = vector.shape_cast %parallel_loop3A_453 : vector<16x1xi32> to vector<16xi32>
      %parallel_loop3A_455 = tpu.dynamic_gather %exp3A[%parallel_loop3A_454] in [0] : vector<16xf32>, vector<16xi32> -> vector<16xf32>
      %parallel_loop3A_456 = arith.constant 21 : i32
      %parallel_loop3A_457 = vector.broadcast %parallel_loop3A_456 : i32 to vector<16xi32>
      %parallel_loop3A_458 = arith.addi %mul3A_9, %parallel_loop3A_457 : vector<16xi32>
      %parallel_loop3A_459 = tpu.memref_slice %arg7[%parallel_loop3A_19] : memref<13312xf32, #tpu.memory_space<vmem>> -> memref<416xf32, #tpu.memory_space<vmem>>
      tpu.vector_store_idx %parallel_loop3A_459[%parallel_loop3A_458], %parallel_loop3A_455 : memref<416xf32, #tpu.memory_space<vmem>>[vector<16xi32>], vector<16xf32>,
      %parallel_loop3A_460 = arith.constant 16 : i32
      %parallel_loop3A_461 = arith.muli %parallel_loop3A_17, %parallel_loop3A_460 : i32
      %parallel_loop3A_462 = arith.constant 22 : i32
      %parallel_loop3A_463 = arith.index_cast %parallel_loop3A_462 : i32 to index
      %parallel_loop3A_464 = arith.index_cast %parallel_loop3A_461 : i32 to index
      %parallel_loop3A_465 = tpu.vector_load %arg6[%parallel_loop3A_463, %parallel_loop3A_464] {strides = array<i32>} : memref<26x512xi32, #tpu.memory_space<vmem>>, vector<16xi32>,
      %parallel_loop3A_466 = arith.constant 0 : i32
      %parallel_loop3A_467 = vector.broadcast %parallel_loop3A_466 : i32 to vector<16xi32>
      %parallel_loop3A_468 = arith.cmpi slt, %parallel_loop3A_465, %parallel_loop3A_467 : vector<16xi32>
      %parallel_loop3A_469 = arith.constant 16 : i32
      %parallel_loop3A_470 = vector.broadcast %parallel_loop3A_469 : i32 to vector<16xi32>
      %parallel_loop3A_471 = arith.addi %parallel_loop3A_465, %parallel_loop3A_470 : vector<16xi32>
      %parallel_loop3A_472 = arith.select %parallel_loop3A_468, %parallel_loop3A_471, %parallel_loop3A_465 : vector<16xi1>, vector<16xi32>
      %parallel_loop3A_473 = vector.shape_cast %parallel_loop3A_472 : vector<16xi32> to vector<16x1xi32>
      %parallel_loop3A_474 = vector.shape_cast %parallel_loop3A_473 : vector<16x1xi32> to vector<16xi32>
      %parallel_loop3A_475 = tpu.dynamic_gather %exp3A[%parallel_loop3A_474] in [0] : vector<16xf32>, vector<16xi32> -> vector<16xf32>
      %parallel_loop3A_476 = arith.constant 22 : i32
      %parallel_loop3A_477 = vector.broadcast %parallel_loop3A_476 : i32 to vector<16xi32>
      %parallel_loop3A_478 = arith.addi %mul3A_9, %parallel_loop3A_477 : vector<16xi32>
      %parallel_loop3A_479 = tpu.memref_slice %arg7[%parallel_loop3A_19] : memref<13312xf32, #tpu.memory_space<vmem>> -> memref<416xf32, #tpu.memory_space<vmem>>
      tpu.vector_store_idx %parallel_loop3A_479[%parallel_loop3A_478], %parallel_loop3A_475 : memref<416xf32, #tpu.memory_space<vmem>>[vector<16xi32>], vector<16xf32>,
      %parallel_loop3A_480 = arith.constant 16 : i32
      %parallel_loop3A_481 = arith.muli %parallel_loop3A_17, %parallel_loop3A_480 : i32
      %parallel_loop3A_482 = arith.constant 23 : i32
      %parallel_loop3A_483 = arith.index_cast %parallel_loop3A_482 : i32 to index
      %parallel_loop3A_484 = arith.index_cast %parallel_loop3A_481 : i32 to index
      %parallel_loop3A_485 = tpu.vector_load %arg6[%parallel_loop3A_483, %parallel_loop3A_484] {strides = array<i32>} : memref<26x512xi32, #tpu.memory_space<vmem>>, vector<16xi32>,
      %parallel_loop3A_486 = arith.constant 0 : i32
      %parallel_loop3A_487 = vector.broadcast %parallel_loop3A_486 : i32 to vector<16xi32>
      %parallel_loop3A_488 = arith.cmpi slt, %parallel_loop3A_485, %parallel_loop3A_487 : vector<16xi32>
      %parallel_loop3A_489 = arith.constant 16 : i32
      %parallel_loop3A_490 = vector.broadcast %parallel_loop3A_489 : i32 to vector<16xi32>
      %parallel_loop3A_491 = arith.addi %parallel_loop3A_485, %parallel_loop3A_490 : vector<16xi32>
      %parallel_loop3A_492 = arith.select %parallel_loop3A_488, %parallel_loop3A_491, %parallel_loop3A_485 : vector<16xi1>, vector<16xi32>
      %parallel_loop3A_493 = vector.shape_cast %parallel_loop3A_492 : vector<16xi32> to vector<16x1xi32>
      %parallel_loop3A_494 = vector.shape_cast %parallel_loop3A_493 : vector<16x1xi32> to vector<16xi32>
      %parallel_loop3A_495 = tpu.dynamic_gather %exp3A[%parallel_loop3A_494] in [0] : vector<16xf32>, vector<16xi32> -> vector<16xf32>
      %parallel_loop3A_496 = arith.constant 23 : i32
      %parallel_loop3A_497 = vector.broadcast %parallel_loop3A_496 : i32 to vector<16xi32>
      %parallel_loop3A_498 = arith.addi %mul3A_9, %parallel_loop3A_497 : vector<16xi32>
      %parallel_loop3A_499 = tpu.memref_slice %arg7[%parallel_loop3A_19] : memref<13312xf32, #tpu.memory_space<vmem>> -> memref<416xf32, #tpu.memory_space<vmem>>
      tpu.vector_store_idx %parallel_loop3A_499[%parallel_loop3A_498], %parallel_loop3A_495 : memref<416xf32, #tpu.memory_space<vmem>>[vector<16xi32>], vector<16xf32>,
      %parallel_loop3A_500 = arith.constant 16 : i32
      %parallel_loop3A_501 = arith.muli %parallel_loop3A_17, %parallel_loop3A_500 : i32
      %parallel_loop3A_502 = arith.constant 24 : i32
      %parallel_loop3A_503 = arith.index_cast %parallel_loop3A_502 : i32 to index
      %parallel_loop3A_504 = arith.index_cast %parallel_loop3A_501 : i32 to index
      %parallel_loop3A_505 = tpu.vector_load %arg6[%parallel_loop3A_503, %parallel_loop3A_504] {strides = array<i32>} : memref<26x512xi32, #tpu.memory_space<vmem>>, vector<16xi32>,
      %parallel_loop3A_506 = arith.constant 0 : i32
      %parallel_loop3A_507 = vector.broadcast %parallel_loop3A_506 : i32 to vector<16xi32>
      %parallel_loop3A_508 = arith.cmpi slt, %parallel_loop3A_505, %parallel_loop3A_507 : vector<16xi32>
      %parallel_loop3A_509 = arith.constant 16 : i32
      %parallel_loop3A_510 = vector.broadcast %parallel_loop3A_509 : i32 to vector<16xi32>
      %parallel_loop3A_511 = arith.addi %parallel_loop3A_505, %parallel_loop3A_510 : vector<16xi32>
      %parallel_loop3A_512 = arith.select %parallel_loop3A_508, %parallel_loop3A_511, %parallel_loop3A_505 : vector<16xi1>, vector<16xi32>
      %parallel_loop3A_513 = vector.shape_cast %parallel_loop3A_512 : vector<16xi32> to vector<16x1xi32>
      %parallel_loop3A_514 = vector.shape_cast %parallel_loop3A_513 : vector<16x1xi32> to vector<16xi32>
      %parallel_loop3A_515 = tpu.dynamic_gather %exp3A[%parallel_loop3A_514] in [0] : vector<16xf32>, vector<16xi32> -> vector<16xf32>
      %parallel_loop3A_516 = arith.constant 24 : i32
      %parallel_loop3A_517 = vector.broadcast %parallel_loop3A_516 : i32 to vector<16xi32>
      %parallel_loop3A_518 = arith.addi %mul3A_9, %parallel_loop3A_517 : vector<16xi32>
      %parallel_loop3A_519 = tpu.memref_slice %arg7[%parallel_loop3A_19] : memref<13312xf32, #tpu.memory_space<vmem>> -> memref<416xf32, #tpu.memory_space<vmem>>
      tpu.vector_store_idx %parallel_loop3A_519[%parallel_loop3A_518], %parallel_loop3A_515 : memref<416xf32, #tpu.memory_space<vmem>>[vector<16xi32>], vector<16xf32>,
      %parallel_loop3A_520 = arith.constant 16 : i32
      %parallel_loop3A_521 = arith.muli %parallel_loop3A_17, %parallel_loop3A_520 : i32
      %parallel_loop3A_522 = arith.constant 25 : i32
      %parallel_loop3A_523 = arith.index_cast %parallel_loop3A_522 : i32 to index
      %parallel_loop3A_524 = arith.index_cast %parallel_loop3A_521 : i32 to index
      %parallel_loop3A_525 = tpu.vector_load %arg6[%parallel_loop3A_523, %parallel_loop3A_524] {strides = array<i32>} : memref<26x512xi32, #tpu.memory_space<vmem>>, vector<16xi32>,
      %parallel_loop3A_526 = arith.constant 0 : i32
      %parallel_loop3A_527 = vector.broadcast %parallel_loop3A_526 : i32 to vector<16xi32>
      %parallel_loop3A_528 = arith.cmpi slt, %parallel_loop3A_525, %parallel_loop3A_527 : vector<16xi32>
      %parallel_loop3A_529 = arith.constant 16 : i32
      %parallel_loop3A_530 = vector.broadcast %parallel_loop3A_529 : i32 to vector<16xi32>
      %parallel_loop3A_531 = arith.addi %parallel_loop3A_525, %parallel_loop3A_530 : vector<16xi32>
      %parallel_loop3A_532 = arith.select %parallel_loop3A_528, %parallel_loop3A_531, %parallel_loop3A_525 : vector<16xi1>, vector<16xi32>
      %parallel_loop3A_533 = vector.shape_cast %parallel_loop3A_532 : vector<16xi32> to vector<16x1xi32>
      %parallel_loop3A_534 = vector.shape_cast %parallel_loop3A_533 : vector<16x1xi32> to vector<16xi32>
      %parallel_loop3A_535 = tpu.dynamic_gather %exp3A[%parallel_loop3A_534] in [0] : vector<16xf32>, vector<16xi32> -> vector<16xf32>
      %parallel_loop3A_536 = arith.constant 25 : i32
      %parallel_loop3A_537 = vector.broadcast %parallel_loop3A_536 : i32 to vector<16xi32>
      %parallel_loop3A_538 = arith.addi %mul3A_9, %parallel_loop3A_537 : vector<16xi32>
      %parallel_loop3A_539 = tpu.memref_slice %arg7[%parallel_loop3A_19] : memref<13312xf32, #tpu.memory_space<vmem>> -> memref<416xf32, #tpu.memory_space<vmem>>
      tpu.vector_store_idx %parallel_loop3A_539[%parallel_loop3A_538], %parallel_loop3A_535 : memref<416xf32, #tpu.memory_space<vmem>>[vector<16xi32>], vector<16xf32>,
    } {sc.loop_unroll_factor = 1 : i64, sc.parallel_access}
    %mul3A_15 = arith.constant 26 : i32
    %mul3A_16 = arith.muli %mul3A_2, %mul3A_15 : i32
    "tpu.region"() ({
      %run_scoped3A = tpu.sem_alloc : memref<!tpu.dma_semaphore, #tpu.memory_space<semaphore_mem>>
      %dma_start3A_17 = tpu.memref_slice %arg4[%mul3A_16] : memref<425984xf32, #tpu.memory_space<hbm>> -> memref<13312xf32, #tpu.memory_space<hbm>>
      %dma_start3A_18 = tpu.memref_slice %arg4[%mul3A_16] : memref<425984xf32, #tpu.memory_space<hbm>> -> memref<13312xf32, #tpu.memory_space<hbm>>
      tpu.enqueue_dma source(%arg7 : memref<13312xf32, #tpu.memory_space<vmem>>) target(%dma_start3A_18 : memref<13312xf32, #tpu.memory_space<hbm>>) target_semaphore(%run_scoped3A : memref<!tpu.dma_semaphore, #tpu.memory_space<semaphore_mem>>)
      %dma_wait3A_19 = tpu.memref_slice %arg4[%mul3A_16] : memref<425984xf32, #tpu.memory_space<hbm>> -> memref<13312xf32, #tpu.memory_space<hbm>>
      %dma_wait3A_20 = tpu.memref_slice %arg4[%mul3A_16] : memref<425984xf32, #tpu.memory_space<hbm>> -> memref<13312xf32, #tpu.memory_space<hbm>>
      tpu.wait_dma2 semaphore(%run_scoped3A : memref<!tpu.dma_semaphore, #tpu.memory_space<semaphore_mem>>) src(%arg7 : memref<13312xf32, #tpu.memory_space<vmem>>) dst(%dma_wait3A_20 : memref<13312xf32, #tpu.memory_space<hbm>>)
      tpu.yield
    }) : () -> ()
    return
  }
}

</mosaic_0001>

<sc_bundles>
// kernel: kernel.3.cloned.1.call-start
scs
__scs_entry_jumppad:
0x0: {  	(pc) =	sbr.rel $0x88, $3  }
0x1: {  	(tag) =	ssettag $0x0;
	lr =	simm.s32 $0x1  }
0x2: {  	[smem:$0x3F9F] =	sst lr;
	_ =	strace $0xD0000000  }
0x3: {  	_ = 	snop  }
0x4: {  	_ = 	snop  }
0x5: {  	_ = 	snop  }
0x6: {  	_ = 	snop  }
0x7: {  	_ = 	snop  }
__scs_overlays_trampoline_lowered:
0x8: {  	[smem:$0x3FAE] =	sst s0  }
0x9: {  	[smem:$0x3FAF] =	sst s1  }
0xa: {  	[smem:$0x3FB0] =	sst s2  }
0xb: {  	[smem:$0x3FB1] =	sst s3  }
0xc: {  	[smem:$0x3FB2] =	sst s4  }
0xd: {  	[smem:$0x3FB3] =	sst s5  }
0xe: {  	[smem:$0x3FB4] =	sst s6  }
0xf: {  	[smem:$0x3FB5] =	sst s7  }
0x10: {  	[smem:$0x3FB6] =	sst s8  }
0x11: {  	[smem:$0x3FB7] =	sst s9;
	s0 =	simm.s32 @!p0 $0x0  }
0x12: {  	s1 =	sld [smem:$0x3F9D];
	s0 =	simm.s32 @p0 $0x1  }
0x13: {  	[smem:$0x3FB8] =	sst s0;
	s0 =	simm.s32 @!p1 $0x0  }
0x14: {  	s2 =	sld [smem:$0x3F9C];
	s0 =	simm.s32 @p1 $0x1  }
0x15: {  	[smem:$0x3FB9] =	sst s0;
	s0 =	simm.s32 @!p2 $0x0  }
0x16: {  	s3 =	sld [smem:$0x3FDB];
	s0 =	simm.s32 @p2 $0x1  }
0x17: {  	s4 =	simm.s32 $0x1BF5;
	[smem:$0x3FBB] =	sst s0  }
0x18: {  	s0 =	sld [smem:$0x3F9E];
	_ =	swait.ge [sflag:s4], $0x0  }
0x19: {  	s7 =	sld [smem:$0x3F9F]  }
0x1a: {  	s8 =	sadd.s32 $0xFFFFE003, lr  }
0x1b: {  	s9 =	sadd.s32 $0xFFFFFEF7, lr;
	s5 =	simm.s32 $0xFFFFFFFF;
	p2 =	slt.u32 s8, $0xFFFFF086  }
0x1c: {  	p1 =	slt.u32 s9, $0xF7A;
	s5 =	simm.s32 @!p2 $0x0  }
0x1d: {  	s5 =	simm.s32 @p1 $0x1;
	p0 =	seq.s32 s7, s2  }
0x1e: {  	s7 =	smul.u32 @!p0 $0xF7A, s2;
	p2 =	seq.s32 @!p0 s5, $0x0  }
0x1f: {  	s9 =	smul.u32 $0xF7A, s1;
	s8 =	simm.s32 @!p0 $0x1BF5;
	p2 =	por !p2, p0  }
0x20: {  	[sflag:s8] =	ssyncset.s32 @!p0 $0xFFFFF086;
	s6 =	sadd.s32 @!p0 s3, s7;
	s7 =	simm.s32 @!p0 $0x108  }
0x21: {  	s3 =	sadd.s32 s3, s9;
	s6 =	sadd.s32 @!p0 $0x88, s6;
	s7 =	simm.s32 @p2 $0x1082  }
0x22: {  	[simem:s7], [sflag:s8] =	dma.local @!p0 [hbm:s6], $0xF7A  }
0x23: {  	s9 =	sor.u32 $0xD0000000, s2;
	s6 =	simm.s32 $0x108;
	_ =	swait.ge @!p0 [sflag:s8], $0x0  }
0x24: {  	s3 =	sadd.s32 $0x88, s3;
	s6 =	simm.s32 @!p1 $0x1082;
	[sflag:s4] =	ssyncset.s32 $0xFFFFF086  }
0x25: {  	[simem:s6], [sflag:s4] =	dma.local [hbm:s3], $0xF7A  }
0x26: {  	[smem:$0x3F9F] =	sst s1;
	(tag) =	ssettag s2;
	_ =	strace s9  }
0x27: {  	s1 =	sld [smem:$0x3FAF]  }
0x28: {  	s2 =	sld [smem:$0x3FB0]  }
0x29: {  	s4 =	sld [smem:$0x3FB2]  }
0x2a: {  	p0 =	seq.s32 s5, $0x0;
	s5 =	sld [smem:$0x3FB3]  }
0x2b: {  	s6 =	sld [smem:$0x3FB4]  }
0x2c: {  	s7 =	sld [smem:$0x3FB5]  }
0x2d: {  	s3 =	simm.s32 $0x108;
	s8 =	sld [smem:$0x3FB6]  }
0x2e: {  	s3 =	simm.s32 @!p0 $0x1082;
	s9 =	sld [smem:$0x3FB7]  }
0x2f: {  	lr =	sadd.s32 s0, s3;
	s0 =	sld [smem:$0x3FAE]  }
0x30: {  	s3 =	sld [smem:$0x3FB1]  }
0x31: {  	[smem:$0x3FBA] =	sst s10  }
0x32: {  	s10 =	sld [smem:$0x3FB8];
	_ =	sdelay $0x3  }
0x33: {  	p0 =	seq.s32 s10, $0x1;
	s10 =	sld [smem:$0x3FBA];
	_ =	sdelay $0x3  }
0x34: {  	[smem:$0x3FBA] =	sst s10  }
0x35: {  	s10 =	sld [smem:$0x3FB9];
	_ =	sdelay $0x3  }
0x36: {  	p1 =	seq.s32 s10, $0x1;
	s10 =	sld [smem:$0x3FBA];
	_ =	sdelay $0x3  }
0x37: {  	[smem:$0x3FBA] =	sst s10  }
0x38: {  	s10 =	sld [smem:$0x3FBB]  }
0x39: {  	_ = 	snop;
	(pc) =	sbr.ind lr, $3  }
0x3a: {  	_ = 	snop  }
0x3b: {  	_ = 	snop  }
0x3c: {  	p2 =	seq.s32 s10, $0x1;
	s10 =	sld [smem:$0x3FBA]  }
0x3d: {  	_ =	shalt  }
0x3e: {  	_ =	shalt  }
0x3f: {  	_ =	shalt  }
0x40: {  	_ =	shalt  }
0x41: {  	_ =	shalt  }
0x42: {  	_ =	shalt  }
0x43: {  	_ =	shalt  }
0x44: {  	_ =	shalt  }
0x45: {  	_ =	shalt  }
0x46: {  	_ =	shalt  }
0x47: {  	_ =	shalt  }
0x48: {  	_ =	shalt  }
0x49: {  	_ =	shalt  }
0x4a: {  	_ =	shalt  }
0x4b: {  	_ =	shalt  }
0x4c: {  	_ =	shalt  }
0x4d: {  	_ =	shalt  }
0x4e: {  	_ =	shalt  }
0x4f: {  	_ =	shalt  }
0x50: {  	_ =	shalt  }
0x51: {  	_ =	shalt  }
0x52: {  	_ =	shalt  }
0x53: {  	_ =	shalt  }
0x54: {  	_ =	shalt  }
0x55: {  	_ =	shalt  }
0x56: {  	_ =	shalt  }
0x57: {  	_ =	shalt  }
0x58: {  	_ =	shalt  }
0x59: {  	_ =	shalt  }
0x5a: {  	_ =	shalt  }
0x5b: {  	_ =	shalt  }
0x5c: {  	_ =	shalt  }
0x5d: {  	_ =	shalt  }
0x5e: {  	_ =	shalt  }
0x5f: {  	_ =	shalt  }
0x60: {  	_ =	shalt  }
0x61: {  	_ =	shalt  }
0x62: {  	_ =	shalt  }
0x63: {  	_ =	shalt  }
0x64: {  	_ =	shalt  }
0x65: {  	_ =	shalt  }
0x66: {  	_ =	shalt  }
0x67: {  	_ =	shalt  }
0x68: {  	_ =	shalt  }
0x69: {  	_ =	shalt  }
0x6a: {  	_ =	shalt  }
0x6b: {  	_ =	shalt  }
0x6c: {  	_ =	shalt  }
0x6d: {  	_ =	shalt  }
0x6e: {  	_ =	shalt  }
0x6f: {  	_ =	shalt  }
0x70: {  	_ =	shalt  }
0x71: {  	_ =	shalt  }
0x72: {  	_ =	shalt  }
0x73: {  	_ =	shalt  }
0x74: {  	_ =	shalt  }
0x75: {  	_ =	shalt  }
0x76: {  	_ =	shalt  }
0x77: {  	_ =	shalt  }
0x78: {  	_ =	shalt  }
0x79: {  	_ =	shalt  }
0x7a: {  	_ =	shalt  }
0x7b: {  	_ =	shalt  }
0x7c: {  	_ =	shalt  }
0x7d: {  	_ =	shalt  }
0x7e: {  	_ =	shalt  }
0x7f: {  	_ =	shalt  }
0x80: {  	_ =	shalt  }
0x81: {  	_ =	shalt  }
0x82: {  	_ =	shalt  }
0x83: {  	_ =	shalt  }
0x84: {  	_ =	shalt  }
0x85: {  	_ =	shalt  }
0x86: {  	_ =	shalt  }
0x87: {  	_ =	shalt  }
.Lfunc_end0:
.L_simem_size_0:
called_computation_lowered:
.L_overlay_start_0:
0x88: {  	s2 =	sld [smem:$0x3FD9]  }
0x89: {  	s3 =	sld [smem:$0x3FFE];
	_ =	sdelay $0x1  }
0x8a: {  	s1 =	srdreg.scid  }
0x8b: {  	s0 =	sand.u32 $0x1, s1  }
0x8c: {  	s18 =	sshll.u32 s0, $0xA;
	s2 =	sadd.s32 s3, s2  }
0x8d: {  	s2 =	sadd.s32 s2, s18  }
0x8e: {  	[smem:$0x3FC6] =	sst s2  }
0x8f: {  	_ = 	snop  }
0x90: {  	s2 =	sld [smem:$0x3FC9]  }
0x91: {  	s19 =	sld [smem:$0x3FC8]  }
0x92: {  	s4 =	sld [smem:$0x3FD0];
	(tm) =	ssettm $0x1  }
0x93: {  	s5 =	sld [smem:$0x3FFB];
	_ =	sdelay $0x3  }
0x94: {  	_ =	strace s5  }
0x95: {  	s5 =	sld [smem:$0x3FFC];
	_ =	sdelay $0x3  }
0x96: {  	_ =	strace s5  }
0x97: {  	s5 =	sld [smem:$0x3FFD];
	_ =	sdelay $0x3  }
0x98: {  	_ =	strace s5  }
0x99: {  	_ =	strace $0x8FFFFFFF  }
0x9a: {  	s20 =	sld [smem:$0x3FDB];
	_ =	sdelay $0x1  }
0x9b: {  	s6 =	simm.s32 $_scs_section_size  }
0x9c: {  	s7 =	simm.s32 $_size__tile_overlayer_lowered;
	s8 =	simm.s32 $_tile_overlayer_lowered  }
0x9d: {  	s23 =	simm.s32 $0x1BFF;
	s22 =	sshll.u32 s8, $0x1;
	s5 =	sadd.s32 s6, s20  }
0x9e: {  	s9 =	simm.s32 $0x0;
	s21 =	sshll.u32 s7, $0x1;
	s7 =	sadd.s32 s22, s5  }
0x9f: {  	[timem:s9], [sflag:s23] =	dma.local [hbm:s7], s21  }
0xa0: {  	_ =	swait.ge [sflag:s23], s21  }
0xa1: {  	s6 =	ssub.s32 $0x0, s21;
	[sflag:s23] =	ssyncset.done $0x0  }
0xa2: {  	[sflag:s23] =	ssyncadd.s32 s6;
	_ =	sdelay $0x1  }
0xa3: {  	s24 =	simm.s32 $0x1B8B  }
0xa4: {  	_ =	swait.ge [sflag:s24], $0x1  }
0xa5: {  	[sflag:s24] =	ssyncset.done $0x0  }
0xa6: {  	s25 =	simm.s32 $0x1B8E;
	[sflag:s24] =	ssyncadd.s32 $0xFFFFFFFF  }
0xa7: {  	s26 =	simm.s32 $execute0_lowered;
	[smem:$0x3FD2] =	sst s25  }
0xa8: {  	s6 =	sshll.u32 s26, $0x1;
	_ =	strace $0x80000046;
	[dreg:$0x1] =	wrdreg $0xFFFFFFFF  }
0xa9: {  	s28 =	simm.s32 $_size_execute0_lowered;
	s5 =	sadd.s32 s5, s6;
	[dreg:$0x0] =	wrdreg $0x0  }
0xaa: {  	s6 =	sshll.u32 s28, $0x1;
	[dreg:$0x2] =	wrdreg s5  }
0xab: {  	[dreg:$0x3] =	wrdreg s6  }
0xac: {  	[dreg:$0x4] =	wrdreg $0xC0  }
0xad: {  	_ =	task [dreg:s9], $0x5FFFF  }
0xae: {  	[dreg:$0x1] =	wrdreg $0xFFFFFFFF  }
0xaf: {  	[dreg:$0x0] =	wrdreg $0x60  }
0xb0: {  	[dreg:$0x2] =	wrdreg s2  }
0xb1: {  	[dreg:$0x3] =	wrdreg s19  }
0xb2: {  	[dreg:$0x4] =	wrdreg s4  }
0xb3: {  	[dreg:$0x5] =	wrdreg $0x9  }
0xb4: {  	_ =	task.clear_ibuf [dreg:s9], $0x6FFFF;
	_ =	strace $0x90000046  }
0xb5: {  	s29 =	simm.s32 $0x9;
	_ =	strace $0x80000048  }
0xb6: {  	_ =	swait.ge [sflag:s29], $0x1  }
0xb7: {  	[sflag:s29] =	ssyncadd.s32 $0xFFFFFFFF  }
0xb8: {  	_ =	strace $0x90000048  }
0xb9: {  	_ =	sfence  }
0xba: {  	s30 =	sld [smem:$0x0];
	_ =	sdelay $0x2  }
0xbb: {  	s31 =	sshll.u32 s1, $0xD;
	s1 =	sshrl.u32 s1, $0x2  }
0xbc: {  	s3 =	sand.u32 $0x4000, s31;
	s1 =	sadd.s32 s1, s30  }
0xbd: {  	s0 =	sor.u32 s3, s0;
	s1 =	sshll.u32 s1, $0x11  }
0xbe: {  	s0 =	sor.u32 s1, s0  }
0xbf: {  	s0 =	sadd.s32 $0x8F2B, s0  }
0xc0: {  	[sflag:s0] =	ssyncadd.remote.s32 $0x1  }
0xc1: {  	_ =	sfence.sel $0xFFFF  }
0xc2: {  	[dreg:$0x0] =	wrdreg $0xFFFFFFFF;
	(pc) =	sbr.abs _section_cstart, $3  }
0xc3: {  	[dreg:$0x1] =	wrdreg $0xFFFFFFFF  }
0xc4: {  	_ =	task.clear_ibuf [dreg:s9], $0x2FFFF;
	_ =	strace $0x9FFFFFFF  }
0xc5: {  	(tm) =	ssettm $0x7FFFFFFF  }
tec
execute0_lowered:
.L_overlay_start_1:
0x0: {  	(tag) =	ssettag $0x1  }
0x1: {  	v0 =	vlaneseq.u32  }
0x2: {  	v0 =	vmul.u32 $0x1A, v0;
	_ =	sdelay $0x1  }
0x3: {  	s0 =	rddreg [dreg:$0x0];
	v1 =	vor.u32 $0x1, v0  }
0x4: {  	s1 =	rddreg [dreg:$0x2];
	v2 =	vadd.s32 $0x2, v0;
	v3 =	vadd.s32 $0x3, v0;
	v4 =	vadd.s32 $0x4, v0  }
0x5: {  	s2 =	srdreg.scid;
	s4 =	stileid.u32;
	s3 =	simm.s32 $0x0;
	v5 =	vadd.s32 $0x5, v0;
	v6 =	vadd.s32 $0x6, v0;
	v7 =	vadd.s32 $0x7, v0  }
0x6: {  	s10 =	simm.s32 $0x2;
	s11 =	simm.s32 $0x1;
	s12 =	simm.s32 $0x4080;
	v8 =	vadd.s32 $0x8, v0;
	v9 =	vadd.s32 $0x9, v0;
	v10 =	vadd.s32 $0xA, v0  }
0x7: {  	s13 =	simm.s32 $0x0;
	s2 =	sand.u32 $0x1, s2;
	s4 =	sshll.u32 s4, $0x1;
	v11 =	vadd.s32 $0xB, v0;
	v12 =	vadd.s32 $0xC, v0;
	v25 =	vadd.s32 $0x19, v0  }
0x8: {  	[smem:$0x7FF] =	sst s3;
	s5 =	ssub.s32 $0x2, s2;
	s2 =	sor.u32 s2, s4;
	v13 =	vadd.s32 $0xD, v0;
	v14 =	vadd.s32 $0xE, v0;
	v15 =	vadd.s32 $0xF, v0  }
0x9: {  	s31 =	sshrl.u32 s5, $0x1;
	s6 =	sshll.u32 s2, $0x9;
	s2 =	smul.u32 $0x680, s2;
	v16 =	vadd.s32 $0x10, v0;
	v17 =	vadd.s32 $0x11, v0;
	v22 =	vadd.s32 $0x16, v0  }
0xa: {  	_ =	strace $0x80000047;
	v18 =	vadd.s32 $0x12, v0;
	v19 =	vadd.s32 $0x13, v0;
	v20 =	vadd.s32 $0x14, v0;
	s7 =	ssub.s32 s5, s31;
	s0 =	sadd.s32 s0, s6  }
0xb: {  	v21 =	vadd.s32 $0x15, v0;
	v23 =	vadd.s32 $0x17, v0;
	v24 =	vadd.s32 $0x18, v0;
	[dreg:$0x4] =	wrdreg s0;
	s5 =	sadd.s32 s1, s2;
	s6 =	smax.u32 s7, $0x1  }
.LBB2_1:
0xc: {  	s0 =	rddreg [dreg:$0x4]  }
0xd: {  	s1 =	simm.s32 $0x1000;
	s2 =	simm.s32 $0x20000;
	s4 =	simm.s32 $0x80  }
0xe: {  	[tilespmem:s4], [sflag:$0x1] =	stream.strided.gather [hbm4b:s0+s1], $0x4000, s2, s1, $0x38;
	[tilespmem:$0x7480] =	vst v63  }
0xf: {  	s26 =	rddreg [dreg:$0x1]  }
0x10: {  	[tilespmem:s3], [sflag:$0x2] =	stream.linear.gather [hbm4b:s26+s3], $0x3, $0x38;
	[tilespmem:$0x7480] =	vst v63  }
0x11: {  	_ =	swait.ge [sflag:s10], $0x3  }
0x12: {  	[sflag:s10] =	ssyncset.done $0x0  }
0x13: {  	[sflag:s10] =	ssyncadd.s32 $0xFFFFFFFD  }
0x14: {  	v26 =	vld [tilespmem:$0x0];
	_ =	sdelay $0x4  }
0x15: {  	v26 =	vmul.f32 $1.442695020e+00, v26;
	_ =	sdelay $0x1  }
0x16: {  	(erf) = vpow2.f32 v26;
	_ =	sdelay $0x8  }
0x17: {  	v26 =	vpop (erf)  }
0x18: {  	_ =	swait.ge [sflag:s11], $0x4000  }
0x19: {  	s1 =	sand.u32 $0x70, s3;
	s2 =	sand.u32 $0xC00, s3;
	[sflag:s11] =	ssyncset.done $0x0  }
0x1a: {  	s29 =	sor.u32 s1, s2;
	[sflag:s11] =	ssyncadd.s32 $0xFFFFC000  }
0x1b: {  	v27 =	vld [tilespmem:s29+$0x80];
	_ =	sdelay $0x4  }
0x1c: {  	v27 =	vperm.xlane v26, v27;
	_ =	sdelay $0x1  }
0x1d: {  	[tilespmem:v0+s12+$0x0] =	vst.idx.msk $0xffff, v27  }
0x1e: {  	v27 =	vld [tilespmem:s29+$0x100];
	_ =	sdelay $0x4  }
0x1f: {  	v27 =	vperm.xlane v26, v27;
	_ =	sdelay $0x1  }
0x20: {  	[tilespmem:v1+s12+$0x0] =	vst.idx.msk $0xffff, v27  }
0x21: {  	v27 =	vld [tilespmem:s29+$0x180];
	_ =	sdelay $0x4  }
0x22: {  	v27 =	vperm.xlane v26, v27;
	_ =	sdelay $0x1  }
0x23: {  	s7 =	simm.s32 $0x80;
	s4 =	simm.s32 $0x10;
	[tilespmem:v2+s12+$0x0] =	vst.idx.msk $0xffff, v27  }
0x24: {  	s20 =	sand.u32 $0xC00, s7;
	s19 =	sand.u32 $0x70, s4;
	v27 =	vld [tilespmem:s29+$0x200]  }
0x25: {  	s15 =	sor.u32 s19, s20  }
0x26: {  	v28 =	vld [tilespmem:s15+$0x80];
	_ =	sdelay $0x2  }
0x27: {  	v27 =	vperm.xlane v26, v27;
	_ =	sdelay $0x1  }
0x28: {  	v28 =	vperm.xlane v26, v28;
	[tilespmem:v3+s12+$0x0] =	vst.idx.msk $0xffff, v27  }
0x29: {  	s14 =	simm.s32 $0x4220;
	v27 =	vld [tilespmem:s29+$0x280]  }
0x2a: {  	[tilespmem:v0+s14+$0x0] =	vst.idx.msk $0xffff, v28  }
0x2b: {  	v28 =	vld [tilespmem:s15+$0x100];
	_ =	sdelay $0x2  }
0x2c: {  	v27 =	vperm.xlane v26, v27;
	_ =	sdelay $0x1  }
0x2d: {  	v28 =	vperm.xlane v26, v28;
	[tilespmem:v4+s12+$0x0] =	vst.idx.msk $0xffff, v27  }
0x2e: {  	v27 =	vld [tilespmem:s29+$0x300]  }
0x2f: {  	[tilespmem:v1+s14+$0x0] =	vst.idx.msk $0xffff, v28  }
0x30: {  	v28 =	vld [tilespmem:s15+$0x180];
	_ =	sdelay $0x2  }
0x31: {  	v27 =	vperm.xlane v26, v27;
	_ =	sdelay $0x1  }
0x32: {  	v28 =	vperm.xlane v26, v28;
	[tilespmem:v5+s12+$0x0] =	vst.idx.msk $0xffff, v27  }
0x33: {  	v27 =	vld [tilespmem:s29+$0x380]  }
0x34: {  	s8 =	simm.s32 $0x20;
	s9 =	simm.s32 $0x100;
	[tilespmem:v2+s14+$0x0] =	vst.idx.msk $0xffff, v28  }
0x35: {  	s21 =	sand.u32 $0x70, s8;
	s22 =	sand.u32 $0xC00, s9;
	v28 =	vld [tilespmem:s15+$0x200]  }
0x36: {  	s17 =	sor.u32 s21, s22  }
0x37: {  	v29 =	vld [tilespmem:s17+$0x80]  }
0x38: {  	v27 =	vperm.xlane v26, v27  }
0x39: {  	s23 =	sor.u32 s3, s3  }
0x3a: {  	s0 =	sor.u32 $0x380, s23;
	v28 =	vperm.xlane v26, v28;
	[tilespmem:v6+s12+$0x0] =	vst.idx.msk $0xffff, v27  }
0x3b: {  	v27 =	vld [tilespmem:s0+$0x80]  }
0x3c: {  	v29 =	vperm.xlane v26, v29;
	[tilespmem:v3+s14+$0x0] =	vst.idx.msk $0xffff, v28  }
0x3d: {  	s16 =	simm.s32 $0x43C0;
	v28 =	vld [tilespmem:s15+$0x280]  }
0x3e: {  	[tilespmem:v0+s16+$0x0] =	vst.idx.msk $0xffff, v29  }
0x3f: {  	v29 =	vld [tilespmem:s17+$0x100]  }
0x40: {  	v27 =	vperm.xlane v26, v27;
	_ =	sdelay $0x1  }
0x41: {  	v28 =	vperm.xlane v26, v28;
	[tilespmem:v7+s12+$0x0] =	vst.idx.msk $0xffff, v27  }
0x42: {  	v27 =	vld [tilespmem:s29+$0x1080]  }
0x43: {  	v29 =	vperm.xlane v26, v29;
	[tilespmem:v4+s14+$0x0] =	vst.idx.msk $0xffff, v28  }
0x44: {  	v28 =	vld [tilespmem:s15+$0x300]  }
0x45: {  	[tilespmem:v1+s16+$0x0] =	vst.idx.msk $0xffff, v29  }
0x46: {  	v29 =	vld [tilespmem:s17+$0x180]  }
0x47: {  	v27 =	vperm.xlane v26, v27;
	_ =	sdelay $0x1  }
0x48: {  	v28 =	vperm.xlane v26, v28;
	[tilespmem:v8+s12+$0x0] =	vst.idx.msk $0xffff, v27  }
0x49: {  	v27 =	vld [tilespmem:s29+$0x1100]  }
0x4a: {  	v29 =	vperm.xlane v26, v29;
	[tilespmem:v5+s14+$0x0] =	vst.idx.msk $0xffff, v28  }
0x4b: {  	v28 =	vld [tilespmem:s15+$0x380]  }
0x4c: {  	s24 =	simm.s32 $0x30;
	s25 =	simm.s32 $0x180;
	[tilespmem:v2+s16+$0x0] =	vst.idx.msk $0xffff, v29  }
0x4d: {  	s18 =	sand.u32 $0x70, s24;
	s19 =	sand.u32 $0xC00, s25;
	v29 =	vld [tilespmem:s17+$0x200]  }
0x4e: {  	s19 =	sor.u32 s18, s19;
	v27 =	vperm.xlane v26, v27  }
0x4f: {  	v30 =	vld [tilespmem:s19+$0x80]  }
0x50: {  	v28 =	vperm.xlane v26, v28;
	[tilespmem:v9+s12+$0x0] =	vst.idx.msk $0xffff, v27  }
0x51: {  	s1 =	sor.u32 s7, s4;
	v27 =	vld [tilespmem:s29+$0x1180]  }
0x52: {  	s1 =	sor.u32 $0x380, s1;
	v29 =	vperm.xlane v26, v29;
	[tilespmem:v6+s14+$0x0] =	vst.idx.msk $0xffff, v28  }
0x53: {  	v28 =	vld [tilespmem:s1+$0x80]  }
0x54: {  	v30 =	vperm.xlane v26, v30;
	[tilespmem:v3+s16+$0x0] =	vst.idx.msk $0xffff, v29  }
0x55: {  	s18 =	simm.s32 $0x4560;
	v29 =	vld [tilespmem:s17+$0x280]  }
0x56: {  	[tilespmem:v0+s18+$0x0] =	vst.idx.msk $0xffff, v30;
	v27 =	vperm.xlane v26, v27  }
0x57: {  	v30 =	vld [tilespmem:s19+$0x100]  }
0x58: {  	v28 =	vperm.xlane v26, v28;
	[tilespmem:v10+s12+$0x0] =	vst.idx.msk $0xffff, v27  }
0x59: {  	v27 =	vld [tilespmem:s29+$0x1200]  }
0x5a: {  	v29 =	vperm.xlane v26, v29;
	[tilespmem:v7+s14+$0x0] =	vst.idx.msk $0xffff, v28  }
0x5b: {  	v28 =	vld [tilespmem:s15+$0x1080]  }
0x5c: {  	v30 =	vperm.xlane v26, v30;
	[tilespmem:v4+s16+$0x0] =	vst.idx.msk $0xffff, v29  }
0x5d: {  	v29 =	vld [tilespmem:s17+$0x300]  }
0x5e: {  	[tilespmem:v1+s18+$0x0] =	vst.idx.msk $0xffff, v30;
	v27 =	vperm.xlane v26, v27  }
0x5f: {  	v30 =	vld [tilespmem:s19+$0x180]  }
0x60: {  	v28 =	vperm.xlane v26, v28;
	[tilespmem:v11+s12+$0x0] =	vst.idx.msk $0xffff, v27  }
0x61: {  	v27 =	vld [tilespmem:s29+$0x1280]  }
0x62: {  	v29 =	vperm.xlane v26, v29;
	[tilespmem:v8+s14+$0x0] =	vst.idx.msk $0xffff, v28  }
0x63: {  	v28 =	vld [tilespmem:s15+$0x1100]  }
0x64: {  	v30 =	vperm.xlane v26, v30;
	[tilespmem:v5+s16+$0x0] =	vst.idx.msk $0xffff, v29  }
0x65: {  	s7 =	simm.s32 $0x40;
	s26 =	simm.s32 $0x200;
	v29 =	vld [tilespmem:s17+$0x380]  }
0x66: {  	s20 =	sand.u32 $0x70, s7;
	s21 =	sand.u32 $0xC00, s26;
	[tilespmem:v2+s18+$0x0] =	vst.idx.msk $0xffff, v30;
	v27 =	vperm.xlane v26, v27  }
0x67: {  	s21 =	sor.u32 s20, s21;
	v30 =	vld [tilespmem:s19+$0x200]  }
0x68: {  	v28 =	vperm.xlane v26, v28;
	[tilespmem:v12+s12+$0x0] =	vst.idx.msk $0xffff, v27;
	v27 =	vld [tilespmem:s21+$0x80]  }
0x69: {  	v31 =	vld [tilespmem:s29+$0x1300]  }
0x6a: {  	v29 =	vperm.xlane v26, v29;
	[tilespmem:v9+s14+$0x0] =	vst.idx.msk $0xffff, v28  }
0x6b: {  	s8 =	sor.u32 s9, s8;
	v28 =	vld [tilespmem:s15+$0x1180]  }
0x6c: {  	s8 =	sor.u32 $0x380, s8;
	v30 =	vperm.xlane v26, v30;
	[tilespmem:v6+s16+$0x0] =	vst.idx.msk $0xffff, v29  }
0x6d: {  	v29 =	vld [tilespmem:s8+$0x80];
	v27 =	vperm.xlane v26, v27  }
0x6e: {  	s20 =	simm.s32 $0x4700;
	[tilespmem:v3+s18+$0x0] =	vst.idx.msk $0xffff, v30;
	v30 =	vperm.xlane v26, v31  }
0x6f: {  	v31 =	vld [tilespmem:s19+$0x280];
	[tilespmem:v0+s20+$0x0] =	vst.idx.msk $0xffff, v27  }
0x70: {  	v27 =	vperm.xlane v26, v28;
	v28 =	vld [tilespmem:s21+$0x100];
	[tilespmem:v13+s12+$0x0] =	vst.idx.msk $0xffff, v30  }
0x71: {  	v30 =	vld [tilespmem:s29+$0x1380]  }
0x72: {  	v29 =	vperm.xlane v26, v29;
	[tilespmem:v10+s14+$0x0] =	vst.idx.msk $0xffff, v27  }
0x73: {  	v27 =	vld [tilespmem:s15+$0x1200]  }
0x74: {  	[tilespmem:v7+s16+$0x0] =	vst.idx.msk $0xffff, v29;
	v31 =	vperm.xlane v26, v31  }
0x75: {  	v29 =	vld [tilespmem:s17+$0x1080];
	v28 =	vperm.xlane v26, v28  }
0x76: {  	[tilespmem:v4+s18+$0x0] =	vst.idx.msk $0xffff, v31;
	v30 =	vperm.xlane v26, v30  }
0x77: {  	v31 =	vld [tilespmem:s19+$0x300];
	[tilespmem:v1+s20+$0x0] =	vst.idx.msk $0xffff, v28  }
0x78: {  	v27 =	vperm.xlane v26, v27;
	v28 =	vld [tilespmem:s21+$0x180];
	[tilespmem:v14+s12+$0x0] =	vst.idx.msk $0xffff, v30  }
0x79: {  	v30 =	vld [tilespmem:s29+$0x1400]  }
0x7a: {  	v29 =	vperm.xlane v26, v29;
	[tilespmem:v11+s14+$0x0] =	vst.idx.msk $0xffff, v27  }
0x7b: {  	v27 =	vld [tilespmem:s15+$0x1280]  }
0x7c: {  	[tilespmem:v8+s16+$0x0] =	vst.idx.msk $0xffff, v29;
	v31 =	vperm.xlane v26, v31  }
0x7d: {  	v29 =	vld [tilespmem:s17+$0x1100];
	v28 =	vperm.xlane v26, v28  }
0x7e: {  	[tilespmem:v5+s18+$0x0] =	vst.idx.msk $0xffff, v31;
	v30 =	vperm.xlane v26, v30  }
0x7f: {  	s9 =	simm.s32 $0x50;
	s4 =	simm.s32 $0x280;
	v31 =	vld [tilespmem:s19+$0x380];
	[tilespmem:v2+s20+$0x0] =	vst.idx.msk $0xffff, v28  }
0x80: {  	s22 =	sand.u32 $0x70, s9;
	s23 =	sand.u32 $0xC00, s4;
	v27 =	vperm.xlane v26, v27;
	v28 =	vld [tilespmem:s21+$0x200];
	[tilespmem:v15+s12+$0x0] =	vst.idx.msk $0xffff, v30  }
0x81: {  	s22 =	sor.u32 s22, s23;
	v30 =	vld [tilespmem:s29+$0x2080]  }
0x82: {  	v29 =	vperm.xlane v26, v29;
	[tilespmem:v12+s14+$0x0] =	vst.idx.msk $0xffff, v27;
	v27 =	vld [tilespmem:s22+$0x80]  }
0x83: {  	v32 =	vld [tilespmem:s15+$0x1300]  }
0x84: {  	[tilespmem:v9+s16+$0x0] =	vst.idx.msk $0xffff, v29;
	v31 =	vperm.xlane v26, v31  }
0x85: {  	s0 =	sor.u32 s25, s24;
	v29 =	vld [tilespmem:s17+$0x1180];
	v28 =	vperm.xlane v26, v28  }
0x86: {  	s0 =	sor.u32 $0x380, s0;
	[tilespmem:v6+s18+$0x0] =	vst.idx.msk $0xffff, v31;
	v30 =	vperm.xlane v26, v30  }
0x87: {  	v31 =	vld [tilespmem:s0+$0x80];
	v27 =	vperm.xlane v26, v27;
	[tilespmem:v3+s20+$0x0] =	vst.idx.msk $0xffff, v28  }
0x88: {  	s23 =	simm.s32 $0x48A0;
	v32 =	vperm.xlane v26, v32;
	v28 =	vld [tilespmem:s21+$0x280];
	[tilespmem:v16+s12+$0x0] =	vst.idx.msk $0xffff, v30  }
0x89: {  	[tilespmem:v0+s23+$0x0] =	vst.idx.msk $0xffff, v27;
	v27 =	vld [tilespmem:s29+$0x2100]  }
0x8a: {  	v29 =	vperm.xlane v26, v29;
	v30 =	vld [tilespmem:s22+$0x100];
	[tilespmem:v13+s14+$0x0] =	vst.idx.msk $0xffff, v32  }
0x8b: {  	v32 =	vld [tilespmem:s15+$0x1380]  }
0x8c: {  	[tilespmem:v10+s16+$0x0] =	vst.idx.msk $0xffff, v29;
	v31 =	vperm.xlane v26, v31  }
0x8d: {  	v29 =	vld [tilespmem:s17+$0x1200];
	v28 =	vperm.xlane v26, v28  }
0x8e: {  	[tilespmem:v7+s18+$0x0] =	vst.idx.msk $0xffff, v31;
	v27 =	vperm.xlane v26, v27  }
0x8f: {  	v31 =	vld [tilespmem:s19+$0x1080];
	v30 =	vperm.xlane v26, v30;
	[tilespmem:v4+s20+$0x0] =	vst.idx.msk $0xffff, v28  }
0x90: {  	v32 =	vperm.xlane v26, v32;
	v28 =	vld [tilespmem:s21+$0x300];
	[tilespmem:v17+s12+$0x0] =	vst.idx.msk $0xffff, v27  }
0x91: {  	[tilespmem:v1+s23+$0x0] =	vst.idx.msk $0xffff, v30;
	v27 =	vld [tilespmem:s29+$0x2180]  }
0x92: {  	v29 =	vperm.xlane v26, v29;
	v30 =	vld [tilespmem:s22+$0x180];
	[tilespmem:v14+s14+$0x0] =	vst.idx.msk $0xffff, v32  }
0x93: {  	v32 =	vld [tilespmem:s15+$0x1400]  }
0x94: {  	[tilespmem:v11+s16+$0x0] =	vst.idx.msk $0xffff, v29;
	v31 =	vperm.xlane v26, v31  }
0x95: {  	v29 =	vld [tilespmem:s17+$0x1280];
	v28 =	vperm.xlane v26, v28  }
0x96: {  	[tilespmem:v8+s18+$0x0] =	vst.idx.msk $0xffff, v31;
	v27 =	vperm.xlane v26, v27  }
0x97: {  	v31 =	vld [tilespmem:s19+$0x1100];
	v30 =	vperm.xlane v26, v30;
	[tilespmem:v5+s20+$0x0] =	vst.idx.msk $0xffff, v28  }
0x98: {  	v32 =	vperm.xlane v26, v32;
	v28 =	vld [tilespmem:s21+$0x380];
	[tilespmem:v18+s12+$0x0] =	vst.idx.msk $0xffff, v27  }
0x99: {  	s2 =	simm.s32 $0x60;
	s0 =	simm.s32 $0x300;
	[tilespmem:v2+s23+$0x0] =	vst.idx.msk $0xffff, v30;
	v27 =	vld [tilespmem:s29+$0x2200]  }
0x9a: {  	s24 =	sand.u32 $0x70, s2;
	v29 =	vperm.xlane v26, v29;
	s25 =	sand.u32 $0xC00, s0;
	v30 =	vld [tilespmem:s22+$0x200];
	[tilespmem:v15+s14+$0x0] =	vst.idx.msk $0xffff, v32  }
0x9b: {  	s24 =	sor.u32 s24, s25;
	v32 =	vld [tilespmem:s15+$0x2080]  }
0x9c: {  	[tilespmem:v12+s16+$0x0] =	vst.idx.msk $0xffff, v29;
	v29 =	vld [tilespmem:s24+$0x80];
	v31 =	vperm.xlane v26, v31  }
0x9d: {  	v33 =	vld [tilespmem:s17+$0x1300];
	v28 =	vperm.xlane v26, v28  }
0x9e: {  	s1 =	sor.u32 s26, s7;
	[tilespmem:v9+s18+$0x0] =	vst.idx.msk $0xffff, v31;
	v27 =	vperm.xlane v26, v27  }
0x9f: {  	s1 =	sor.u32 $0x380, s1;
	v31 =	vld [tilespmem:s19+$0x1180];
	v30 =	vperm.xlane v26, v30;
	[tilespmem:v6+s20+$0x0] =	vst.idx.msk $0xffff, v28  }
0xa0: {  	v32 =	vperm.xlane v26, v32;
	v28 =	vld [tilespmem:s1+$0x80];
	[tilespmem:v19+s12+$0x0] =	vst.idx.msk $0xffff, v27  }
0xa1: {  	v27 =	vperm.xlane v26, v29;
	[tilespmem:v3+s23+$0x0] =	vst.idx.msk $0xffff, v30;
	v29 =	vld [tilespmem:s29+$0x2280]  }
0xa2: {  	v33 =	vperm.xlane v26, v33;
	s25 =	simm.s32 $0x4A40;
	v30 =	vld [tilespmem:s22+$0x280];
	[tilespmem:v16+s14+$0x0] =	vst.idx.msk $0xffff, v32  }
0xa3: {  	[tilespmem:v0+s25+$0x0] =	vst.idx.msk $0xffff, v27;
	v27 =	vld [tilespmem:s15+$0x2100]  }
0xa4: {  	[tilespmem:v13+s16+$0x0] =	vst.idx.msk $0xffff, v33;
	v31 =	vperm.xlane v26, v31;
	v55 =	vld [tilespmem:s24+$0x100]  }
0xa5: {  	v33 =	vld [tilespmem:s17+$0x1380];
	v28 =	vperm.xlane v26, v28  }
0xa6: {  	[tilespmem:v10+s18+$0x0] =	vst.idx.msk $0xffff, v31;
	v29 =	vperm.xlane v26, v29  }
0xa7: {  	v31 =	vld [tilespmem:s19+$0x1200];
	v30 =	vperm.xlane v26, v30;
	[tilespmem:v7+s20+$0x0] =	vst.idx.msk $0xffff, v28  }
0xa8: {  	v27 =	vperm.xlane v26, v27;
	v28 =	vld [tilespmem:s21+$0x1080];
	[tilespmem:v20+s12+$0x0] =	vst.idx.msk $0xffff, v29  }
0xa9: {  	v29 =	vperm.xlane v26, v55;
	[tilespmem:v4+s23+$0x0] =	vst.idx.msk $0xffff, v30;
	v30 =	vld [tilespmem:s29+$0x2300]  }
0xaa: {  	v33 =	vperm.xlane v26, v33;
	v56 =	vld [tilespmem:s22+$0x300];
	[tilespmem:v17+s14+$0x0] =	vst.idx.msk $0xffff, v27  }
0xab: {  	[tilespmem:v1+s25+$0x0] =	vst.idx.msk $0xffff, v29;
	v27 =	vld [tilespmem:s15+$0x2180]  }
0xac: {  	[tilespmem:v14+s16+$0x0] =	vst.idx.msk $0xffff, v33;
	v29 =	vperm.xlane v26, v31;
	v31 =	vld [tilespmem:s24+$0x180]  }
0xad: {  	v33 =	vld [tilespmem:s17+$0x1400];
	v28 =	vperm.xlane v26, v28  }
0xae: {  	[tilespmem:v11+s18+$0x0] =	vst.idx.msk $0xffff, v29;
	v29 =	vperm.xlane v26, v30  }
0xaf: {  	v30 =	vld [tilespmem:s19+$0x1280];
	v32 =	vperm.xlane v26, v56;
	[tilespmem:v8+s20+$0x0] =	vst.idx.msk $0xffff, v28  }
0xb0: {  	v27 =	vperm.xlane v26, v27;
	v28 =	vld [tilespmem:s21+$0x1100];
	[tilespmem:v21+s12+$0x0] =	vst.idx.msk $0xffff, v29  }
0xb1: {  	v29 =	vperm.xlane v26, v31;
	[tilespmem:v5+s23+$0x0] =	vst.idx.msk $0xffff, v32;
	v31 =	vld [tilespmem:s29+$0x2380]  }
0xb2: {  	v33 =	vperm.xlane v26, v33;
	v32 =	vld [tilespmem:s22+$0x380];
	[tilespmem:v18+s14+$0x0] =	vst.idx.msk $0xffff, v27  }
0xb3: {  	s7 =	simm.s32 $0x380;
	s1 =	simm.s32 $0x70;
	[tilespmem:v2+s25+$0x0] =	vst.idx.msk $0xffff, v29;
	v27 =	vld [tilespmem:s15+$0x2200]  }
0xb4: {  	s28 =	sand.u32 $0xC00, s7;
	[tilespmem:v15+s16+$0x0] =	vst.idx.msk $0xffff, v33;
	s26 =	sand.u32 $0x70, s1;
	v29 =	vperm.xlane v26, v30;
	v30 =	vld [tilespmem:s24+$0x200]  }
0xb5: {  	v33 =	vld [tilespmem:s17+$0x2080];
	s26 =	sor.u32 s26, s28;
	v28 =	vperm.xlane v26, v28  }
0xb6: {  	[tilespmem:v12+s18+$0x0] =	vst.idx.msk $0xffff, v29;
	v29 =	vld [tilespmem:s26+$0x80];
	v31 =	vperm.xlane v26, v31  }
0xb7: {  	v32 =	vperm.xlane v26, v32;
	[tilespmem:v9+s20+$0x0] =	vst.idx.msk $0xffff, v28;
	v28 =	vld [tilespmem:s19+$0x1300]  }
0xb8: {  	s8 =	sor.u32 s4, s9;
	v27 =	vperm.xlane v26, v27;
	v34 =	vld [tilespmem:s21+$0x1180];
	[tilespmem:v22+s12+$0x0] =	vst.idx.msk $0xffff, v31  }
0xb9: {  	s8 =	sor.u32 $0x380, s8;
	v30 =	vperm.xlane v26, v30;
	[tilespmem:v6+s23+$0x0] =	vst.idx.msk $0xffff, v32;
	v31 =	vld [tilespmem:s29+$0x2400]  }
0xba: {  	v33 =	vperm.xlane v26, v33;
	v32 =	vld [tilespmem:s8+$0x80];
	[tilespmem:v19+s14+$0x0] =	vst.idx.msk $0xffff, v27  }
0xbb: {  	v27 =	vperm.xlane v26, v29;
	[tilespmem:v3+s25+$0x0] =	vst.idx.msk $0xffff, v30;
	v29 =	vld [tilespmem:s15+$0x2280]  }
0xbc: {  	[tilespmem:v16+s16+$0x0] =	vst.idx.msk $0xffff, v33;
	s28 =	simm.s32 $0x4BE0;
	v30 =	vld [tilespmem:s24+$0x280];
	v28 =	vperm.xlane v26, v28  }
0xbd: {  	v33 =	vld [tilespmem:s17+$0x2100];
	[tilespmem:v0+s28+$0x0] =	vst.idx.msk $0xffff, v27;
	v27 =	vperm.xlane v26, v34  }
0xbe: {  	v57 =	vld [tilespmem:s26+$0x100];
	[tilespmem:v13+s18+$0x0] =	vst.idx.msk $0xffff, v28;
	v28 =	vperm.xlane v26, v31  }
0xbf: {  	v31 =	vperm.xlane v26, v32;
	[tilespmem:v10+s20+$0x0] =	vst.idx.msk $0xffff, v27;
	v27 =	vld [tilespmem:s19+$0x1380]  }
0xc0: {  	v29 =	vperm.xlane v26, v29;
	v58 =	vld [tilespmem:s21+$0x1200];
	[tilespmem:v23+s12+$0x0] =	vst.idx.msk $0xffff, v28  }
0xc1: {  	v28 =	vperm.xlane v26, v30;
	[tilespmem:v7+s23+$0x0] =	vst.idx.msk $0xffff, v31;
	v30 =	vld [tilespmem:s29+$0x3080]  }
0xc2: {  	v33 =	vperm.xlane v26, v33;
	v31 =	vld [tilespmem:s22+$0x1080];
	[tilespmem:v20+s14+$0x0] =	vst.idx.msk $0xffff, v29  }
0xc3: {  	v29 =	vperm.xlane v26, v57;
	[tilespmem:v4+s25+$0x0] =	vst.idx.msk $0xffff, v28;
	v28 =	vld [tilespmem:s15+$0x2300]  }
0xc4: {  	[tilespmem:v17+s16+$0x0] =	vst.idx.msk $0xffff, v33;
	v59 =	vld [tilespmem:s24+$0x300];
	v27 =	vperm.xlane v26, v27  }
0xc5: {  	v60 =	vld [tilespmem:s17+$0x2180];
	[tilespmem:v1+s28+$0x0] =	vst.idx.msk $0xffff, v29;
	v29 =	vperm.xlane v26, v58  }
0xc6: {  	v61 =	vld [tilespmem:s26+$0x180];
	[tilespmem:v14+s18+$0x0] =	vst.idx.msk $0xffff, v27;
	v27 =	vperm.xlane v26, v30  }
0xc7: {  	v30 =	vperm.xlane v26, v31;
	[tilespmem:v11+s20+$0x0] =	vst.idx.msk $0xffff, v29;
	v29 =	vld [tilespmem:s19+$0x1400]  }
0xc8: {  	v28 =	vperm.xlane v26, v28;
	v31 =	vld [tilespmem:s21+$0x1280];
	[tilespmem:v24+s12+$0x0] =	vst.idx.msk $0xffff, v27  }
0xc9: {  	v27 =	vperm.xlane v26, v59;
	[tilespmem:v8+s23+$0x0] =	vst.idx.msk $0xffff, v30;
	v30 =	vld [tilespmem:s29+$0x3100]  }
0xca: {  	v35 =	vperm.xlane v26, v60;
	v62 =	vld [tilespmem:s22+$0x1100];
	[tilespmem:v21+s14+$0x0] =	vst.idx.msk $0xffff, v28  }
0xcb: {  	v28 =	vperm.xlane v26, v61;
	[tilespmem:v5+s25+$0x0] =	vst.idx.msk $0xffff, v27;
	v27 =	vld [tilespmem:s15+$0x2380]  }
0xcc: {  	[tilespmem:v18+s16+$0x0] =	vst.idx.msk $0xffff, v35;
	v32 =	vld [tilespmem:s24+$0x380];
	v36 =	vperm.xlane v26, v29  }
0xcd: {  	s9 =	simm.s32 $0x400;
	s8 =	simm.s32 $0x80;
	[tilespmem:v2+s28+$0x0] =	vst.idx.msk $0xffff, v28;
	v29 =	vld [tilespmem:s17+$0x2200];
	v63 =	vperm.xlane v26, v31  }
0xce: {  	s30 =	sand.u32 $0xC00, s9;
	s29 =	sand.u32 $0x70, s8;
	v33 =	vld [tilespmem:s26+$0x200];
	[tilespmem:v15+s18+$0x0] =	vst.idx.msk $0xffff, v36;
	v28 =	vperm.xlane v26, v30  }
0xcf: {  	s31 =	simm.s32 $0x90;
	s29 =	sor.u32 s29, s30;
	s30 =	simm.s32 $0x4080;
	v31 =	vperm.xlane v26, v62;
	[tilespmem:v12+s20+$0x0] =	vst.idx.msk $0xffff, v63;
	v30 =	vld [tilespmem:s19+$0x2080]  }
.LBB2_2:
0xd0: {  	p0 =	sne.s32 s31, $0x1F0;
	v34 =	vld [tilespmem:s29+$0x80];
	v27 =	vperm.xlane v26, v27;
	[tilespmem:v25+s30+$0x0] =	vst.idx.msk $0xffff, v28;
	s30 =	smov.u32 s14;
	s14 =	smov.u32 s16  }
0xd1: {  	s16 =	smov.u32 s18;
	s18 =	smov.u32 s20;
	s20 =	smov.u32 s23;
	v28 =	vperm.xlane v26, v32;
	[tilespmem:v9+s23+$0x0] =	vst.idx.msk $0xffff, v31;
	v31 =	vld [tilespmem:s21+$0x1300]  }
0xd2: {  	s0 =	sor.u32 s0, s2;
	s23 =	smov.u32 s25;
	s25 =	smov.u32 s28;
	v32 =	vld [tilespmem:s22+$0x1180];
	v29 =	vperm.xlane v26, v29;
	[tilespmem:v22+s30+$0x0] =	vst.idx.msk $0xffff, v27  }
0xd3: {  	s2 =	sor.u32 $0x380, s0;
	s0 =	smov.u32 s7;
	s7 =	smov.u32 s9;
	v27 =	vperm.xlane v26, v33;
	[tilespmem:v6+s23+$0x0] =	vst.idx.msk $0xffff, v28;
	v28 =	vld [tilespmem:s15+$0x2400]  }
0xd4: {  	v33 =	vld [tilespmem:s2+$0x80];
	v30 =	vperm.xlane v26, v30;
	[tilespmem:v19+s14+$0x0] =	vst.idx.msk $0xffff, v29;
	s2 =	smov.u32 s1;
	s1 =	smov.u32 s8;
	s8 =	smov.u32 s31  }
0xd5: {  	v29 =	vperm.xlane v26, v34;
	[tilespmem:v3+s28+$0x0] =	vst.idx.msk $0xffff, v27;
	v27 =	vld [tilespmem:s17+$0x2280]  }
0xd6: {  	s28 =	sadd.s32 $0x1A0, s28;
	v34 =	vld [tilespmem:s26+$0x280];
	v31 =	vperm.xlane v26, v31;
	[tilespmem:v16+s16+$0x0] =	vst.idx.msk $0xffff, v30  }
0xd7: {  	[tilespmem:v0+s28+$0x0] =	vst.idx.msk $0xffff, v29;
	v29 =	vperm.xlane v26, v32;
	v30 =	vld [tilespmem:s19+$0x2100]  }
0xd8: {  	v32 =	vld [tilespmem:s29+$0x100];
	[tilespmem:v13+s18+$0x0] =	vst.idx.msk $0xffff, v31;
	v28 =	vperm.xlane v26, v28  }
0xd9: {  	v31 =	vperm.xlane v26, v33;
	[tilespmem:v10+s20+$0x0] =	vst.idx.msk $0xffff, v29;
	v29 =	vld [tilespmem:s21+$0x1380]  }
0xda: {  	v33 =	vld [tilespmem:s22+$0x1200];
	v27 =	vperm.xlane v26, v27;
	[tilespmem:v23+s30+$0x0] =	vst.idx.msk $0xffff, v28  }
0xdb: {  	v28 =	vperm.xlane v26, v34;
	[tilespmem:v7+s23+$0x0] =	vst.idx.msk $0xffff, v31;
	v31 =	vld [tilespmem:s15+$0x3080]  }
0xdc: {  	v34 =	vld [tilespmem:s24+$0x1080];
	v30 =	vperm.xlane v26, v30;
	[tilespmem:v20+s14+$0x0] =	vst.idx.msk $0xffff, v27  }
0xdd: {  	v27 =	vperm.xlane v26, v32;
	[tilespmem:v4+s25+$0x0] =	vst.idx.msk $0xffff, v28;
	v28 =	vld [tilespmem:s17+$0x2300]  }
0xde: {  	v32 =	vld [tilespmem:s26+$0x300];
	v29 =	vperm.xlane v26, v29;
	[tilespmem:v17+s16+$0x0] =	vst.idx.msk $0xffff, v30  }
0xdf: {  	[tilespmem:v1+s28+$0x0] =	vst.idx.msk $0xffff, v27;
	v27 =	vperm.xlane v26, v33;
	v30 =	vld [tilespmem:s19+$0x2180]  }
0xe0: {  	v33 =	vld [tilespmem:s29+$0x180];
	[tilespmem:v14+s18+$0x0] =	vst.idx.msk $0xffff, v29;
	v29 =	vperm.xlane v26, v31  }
0xe1: {  	v31 =	vperm.xlane v26, v34;
	[tilespmem:v11+s20+$0x0] =	vst.idx.msk $0xffff, v27;
	v34 =	vld [tilespmem:s21+$0x1400]  }
0xe2: {  	v35 =	vld [tilespmem:s22+$0x1280];
	v27 =	vperm.xlane v26, v28;
	[tilespmem:v24+s30+$0x0] =	vst.idx.msk $0xffff, v29  }
0xe3: {  	v28 =	vperm.xlane v26, v32;
	[tilespmem:v8+s23+$0x0] =	vst.idx.msk $0xffff, v31;
	v31 =	vld [tilespmem:s15+$0x3100];
	s15 =	smov.u32 s17;
	s17 =	smov.u32 s19;
	s19 =	smov.u32 s21  }
0xe4: {  	s21 =	smov.u32 s22;
	s22 =	smov.u32 s24;
	v36 =	vld [tilespmem:s24+$0x1100];
	v29 =	vperm.xlane v26, v30;
	[tilespmem:v21+s14+$0x0] =	vst.idx.msk $0xffff, v27;
	s24 =	smov.u32 s26  }
.Ltmp0:
0xe5: {  	s26 =	smov.u32 s29;
	v30 =	vperm.xlane v26, v33;
	[tilespmem:v5+s25+$0x0] =	vst.idx.msk $0xffff, v28;
	v27 =	vld [tilespmem:s15+$0x2380];
	(pc) =	sbr.rel @p0 .LBB2_2-.Ltmp0, $4  }
0xe6: {  	v32 =	vld [tilespmem:s24+$0x380];
	v28 =	vperm.xlane v26, v34;
	[tilespmem:v18+s16+$0x0] =	vst.idx.msk $0xffff, v29  }
0xe7: {  	s9 =	sadd.s32 $0x80, s9;
	[tilespmem:v2+s28+$0x0] =	vst.idx.msk $0xffff, v30;
	v30 =	vperm.xlane v26, v35;
	v29 =	vld [tilespmem:s17+$0x2200]  }
0xe8: {  	s4 =	sand.u32 $0xC00, s9;
	s29 =	sand.u32 $0x70, s31;
	v33 =	vld [tilespmem:s26+$0x200];
	[tilespmem:v15+s18+$0x0] =	vst.idx.msk $0xffff, v28;
	v28 =	vperm.xlane v26, v31  }
0xe9: {  	s31 =	sadd.s32 $0x10, s31;
	s29 =	sor.u32 s29, s4;
	v31 =	vperm.xlane v26, v36;
	[tilespmem:v12+s20+$0x0] =	vst.idx.msk $0xffff, v30;
	v30 =	vld [tilespmem:s19+$0x2080]  }
0xea: {  	v34 =	vld [tilespmem:s29+$0x80];
	_ =	sdelay $0x4  }
0xeb: {  	v34 =	vperm.xlane v26, v34  }
0xec: {  	s31 =	sadd.s32 $0x1A0, s28  }
0xed: {  	[tilespmem:v0+s31+$0x0] =	vst.idx.msk $0xffff, v34  }
0xee: {  	v34 =	vld [tilespmem:s29+$0x100];
	_ =	sdelay $0x4  }
0xef: {  	v34 =	vperm.xlane v26, v34;
	_ =	sdelay $0x1  }
0xf0: {  	[tilespmem:v1+s31+$0x0] =	vst.idx.msk $0xffff, v34  }
0xf1: {  	v34 =	vld [tilespmem:s29+$0x180];
	_ =	sdelay $0x4  }
0xf2: {  	v34 =	vperm.xlane v26, v34;
	_ =	sdelay $0x1  }
0xf3: {  	[tilespmem:v2+s31+$0x0] =	vst.idx.msk $0xffff, v34  }
0xf4: {  	v34 =	vld [tilespmem:s29+$0x200];
	_ =	sdelay $0x1  }
0xf5: {  	v33 =	vperm.xlane v26, v33;
	_ =	sdelay $0x1  }
0xf6: {  	[tilespmem:v3+s28+$0x0] =	vst.idx.msk $0xffff, v33  }
0xf7: {  	v33 =	vld [tilespmem:s26+$0x280];
	v34 =	vperm.xlane v26, v34;
	_ =	sdelay $0x1  }
0xf8: {  	[tilespmem:v3+s31+$0x0] =	vst.idx.msk $0xffff, v34  }
0xf9: {  	v34 =	vld [tilespmem:s29+$0x280];
	_ =	sdelay $0x1  }
0xfa: {  	v33 =	vperm.xlane v26, v33;
	_ =	sdelay $0x1  }
0xfb: {  	[tilespmem:v4+s28+$0x0] =	vst.idx.msk $0xffff, v33  }
0xfc: {  	v33 =	vld [tilespmem:s26+$0x300];
	v34 =	vperm.xlane v26, v34;
	_ =	sdelay $0x1  }
0xfd: {  	[tilespmem:v4+s31+$0x0] =	vst.idx.msk $0xffff, v34  }
0xfe: {  	v34 =	vld [tilespmem:s29+$0x300];
	_ =	sdelay $0x1  }
0xff: {  	v33 =	vperm.xlane v26, v33;
	_ =	sdelay $0x1  }
0x100: {  	[tilespmem:v5+s28+$0x0] =	vst.idx.msk $0xffff, v33  }
0x101: {  	v33 =	vld [tilespmem:s26+$0x380];
	v34 =	vperm.xlane v26, v34;
	_ =	sdelay $0x1  }
0x102: {  	[tilespmem:v5+s31+$0x0] =	vst.idx.msk $0xffff, v34  }
0x103: {  	v34 =	vld [tilespmem:s29+$0x380]  }
0x104: {  	v32 =	vperm.xlane v26, v32  }
0x105: {  	s0 =	sor.u32 s0, s2;
	v33 =	vperm.xlane v26, v33  }
0x106: {  	s1 =	sor.u32 s7, s1;
	s0 =	sor.u32 $0x380, s0;
	[tilespmem:v6+s25+$0x0] =	vst.idx.msk $0xffff, v32  }
0x107: {  	s1 =	sor.u32 $0x380, s1;
	v45 =	vld [tilespmem:s0+$0x80];
	[tilespmem:v6+s28+$0x0] =	vst.idx.msk $0xffff, v33  }
0x108: {  	v33 =	vld [tilespmem:s1+$0x80];
	v44 =	vperm.xlane v26, v34  }
0x109: {  	s9 =	sor.u32 s9, s8  }
0x10a: {  	s0 =	sor.u32 $0x380, s9;
	[tilespmem:v6+s31+$0x0] =	vst.idx.msk $0xffff, v44  }
0x10b: {  	v32 =	vld [tilespmem:s0+$0x80]  }
0x10c: {  	v34 =	vperm.xlane v26, v45  }
0x10d: {  	v33 =	vperm.xlane v26, v33  }
0x10e: {  	[tilespmem:v7+s25+$0x0] =	vst.idx.msk $0xffff, v34  }
0x10f: {  	[tilespmem:v7+s28+$0x0] =	vst.idx.msk $0xffff, v33;
	v34 =	vld [tilespmem:s24+$0x1080]  }
0x110: {  	v33 =	vld [tilespmem:s26+$0x1080];
	v32 =	vperm.xlane v26, v32;
	_ =	sdelay $0x1  }
0x111: {  	[tilespmem:v7+s31+$0x0] =	vst.idx.msk $0xffff, v32  }
0x112: {  	v32 =	vld [tilespmem:s29+$0x1080]  }
0x113: {  	v34 =	vperm.xlane v26, v34  }
0x114: {  	v33 =	vperm.xlane v26, v33  }
0x115: {  	[tilespmem:v8+s25+$0x0] =	vst.idx.msk $0xffff, v34  }
0x116: {  	[tilespmem:v8+s28+$0x0] =	vst.idx.msk $0xffff, v33;
	v34 =	vld [tilespmem:s24+$0x1100]  }
0x117: {  	v33 =	vld [tilespmem:s26+$0x1100];
	v32 =	vperm.xlane v26, v32;
	_ =	sdelay $0x1  }
0x118: {  	[tilespmem:v8+s31+$0x0] =	vst.idx.msk $0xffff, v32  }
0x119: {  	v32 =	vld [tilespmem:s29+$0x1100]  }
0x11a: {  	v34 =	vperm.xlane v26, v34  }
0x11b: {  	[tilespmem:v9+s23+$0x0] =	vst.idx.msk $0xffff, v31;
	v46 =	vperm.xlane v26, v33  }
0x11c: {  	v47 =	vld [tilespmem:s22+$0x1180];
	[tilespmem:v9+s25+$0x0] =	vst.idx.msk $0xffff, v34  }
0x11d: {  	[tilespmem:v9+s28+$0x0] =	vst.idx.msk $0xffff, v46;
	v34 =	vld [tilespmem:s24+$0x1180]  }
0x11e: {  	v31 =	vld [tilespmem:s26+$0x1180];
	v32 =	vperm.xlane v26, v32;
	_ =	sdelay $0x1  }
0x11f: {  	[tilespmem:v9+s31+$0x0] =	vst.idx.msk $0xffff, v32  }
0x120: {  	v33 =	vperm.xlane v26, v47;
	v32 =	vld [tilespmem:s29+$0x1180]  }
0x121: {  	v34 =	vperm.xlane v26, v34  }
0x122: {  	[tilespmem:v10+s23+$0x0] =	vst.idx.msk $0xffff, v33;
	v31 =	vperm.xlane v26, v31  }
0x123: {  	v33 =	vld [tilespmem:s22+$0x1200];
	[tilespmem:v10+s25+$0x0] =	vst.idx.msk $0xffff, v34  }
0x124: {  	[tilespmem:v10+s28+$0x0] =	vst.idx.msk $0xffff, v31;
	v34 =	vld [tilespmem:s24+$0x1200]  }
0x125: {  	v31 =	vld [tilespmem:s26+$0x1200];
	v32 =	vperm.xlane v26, v32;
	_ =	sdelay $0x1  }
0x126: {  	[tilespmem:v10+s31+$0x0] =	vst.idx.msk $0xffff, v32  }
0x127: {  	v33 =	vperm.xlane v26, v33;
	v32 =	vld [tilespmem:s29+$0x1200]  }
0x128: {  	v34 =	vperm.xlane v26, v34  }
0x129: {  	[tilespmem:v11+s23+$0x0] =	vst.idx.msk $0xffff, v33;
	v31 =	vperm.xlane v26, v31  }
0x12a: {  	v33 =	vld [tilespmem:s22+$0x1280];
	[tilespmem:v11+s25+$0x0] =	vst.idx.msk $0xffff, v34  }
0x12b: {  	[tilespmem:v11+s28+$0x0] =	vst.idx.msk $0xffff, v31;
	v34 =	vld [tilespmem:s24+$0x1280]  }
0x12c: {  	v31 =	vld [tilespmem:s26+$0x1280];
	v32 =	vperm.xlane v26, v32;
	_ =	sdelay $0x1  }
0x12d: {  	[tilespmem:v11+s31+$0x0] =	vst.idx.msk $0xffff, v32  }
0x12e: {  	v33 =	vperm.xlane v26, v33;
	v32 =	vld [tilespmem:s29+$0x1280]  }
0x12f: {  	v34 =	vperm.xlane v26, v34  }
0x130: {  	v35 =	vld [tilespmem:s21+$0x1300];
	[tilespmem:v12+s23+$0x0] =	vst.idx.msk $0xffff, v33;
	v31 =	vperm.xlane v26, v31  }
0x131: {  	v33 =	vld [tilespmem:s22+$0x1300];
	[tilespmem:v12+s25+$0x0] =	vst.idx.msk $0xffff, v34  }
0x132: {  	[tilespmem:v12+s28+$0x0] =	vst.idx.msk $0xffff, v31;
	v34 =	vld [tilespmem:s24+$0x1300]  }
0x133: {  	v31 =	vld [tilespmem:s26+$0x1300];
	v32 =	vperm.xlane v26, v32;
	_ =	sdelay $0x1  }
0x134: {  	v35 =	vperm.xlane v26, v35;
	[tilespmem:v12+s31+$0x0] =	vst.idx.msk $0xffff, v32  }
0x135: {  	v33 =	vperm.xlane v26, v33;
	v32 =	vld [tilespmem:s29+$0x1300]  }
0x136: {  	[tilespmem:v13+s20+$0x0] =	vst.idx.msk $0xffff, v35;
	v34 =	vperm.xlane v26, v34  }
0x137: {  	v35 =	vld [tilespmem:s21+$0x1380];
	[tilespmem:v13+s23+$0x0] =	vst.idx.msk $0xffff, v33;
	v31 =	vperm.xlane v26, v31  }
0x138: {  	v33 =	vld [tilespmem:s22+$0x1380];
	[tilespmem:v13+s25+$0x0] =	vst.idx.msk $0xffff, v34  }
0x139: {  	[tilespmem:v13+s28+$0x0] =	vst.idx.msk $0xffff, v31;
	v34 =	vld [tilespmem:s24+$0x1380]  }
0x13a: {  	v31 =	vld [tilespmem:s26+$0x1380];
	v32 =	vperm.xlane v26, v32;
	_ =	sdelay $0x1  }
0x13b: {  	v35 =	vperm.xlane v26, v35;
	[tilespmem:v13+s31+$0x0] =	vst.idx.msk $0xffff, v32  }
0x13c: {  	v33 =	vperm.xlane v26, v33;
	v32 =	vld [tilespmem:s29+$0x1380]  }
0x13d: {  	[tilespmem:v14+s20+$0x0] =	vst.idx.msk $0xffff, v35;
	v34 =	vperm.xlane v26, v34  }
0x13e: {  	v35 =	vld [tilespmem:s21+$0x1400];
	[tilespmem:v14+s23+$0x0] =	vst.idx.msk $0xffff, v33;
	v31 =	vperm.xlane v26, v31  }
0x13f: {  	v33 =	vld [tilespmem:s22+$0x1400];
	[tilespmem:v14+s25+$0x0] =	vst.idx.msk $0xffff, v34  }
0x140: {  	[tilespmem:v14+s28+$0x0] =	vst.idx.msk $0xffff, v31;
	v34 =	vld [tilespmem:s24+$0x1400]  }
0x141: {  	v31 =	vld [tilespmem:s26+$0x1400];
	v32 =	vperm.xlane v26, v32;
	_ =	sdelay $0x1  }
0x142: {  	v35 =	vperm.xlane v26, v35;
	[tilespmem:v14+s31+$0x0] =	vst.idx.msk $0xffff, v32  }
0x143: {  	v33 =	vperm.xlane v26, v33;
	v32 =	vld [tilespmem:s29+$0x1400]  }
0x144: {  	[tilespmem:v15+s20+$0x0] =	vst.idx.msk $0xffff, v35;
	v34 =	vperm.xlane v26, v34  }
0x145: {  	v35 =	vld [tilespmem:s21+$0x2080];
	[tilespmem:v15+s23+$0x0] =	vst.idx.msk $0xffff, v33;
	v31 =	vperm.xlane v26, v31  }
0x146: {  	v33 =	vld [tilespmem:s22+$0x2080];
	[tilespmem:v15+s25+$0x0] =	vst.idx.msk $0xffff, v34  }
0x147: {  	[tilespmem:v15+s28+$0x0] =	vst.idx.msk $0xffff, v31;
	v34 =	vld [tilespmem:s24+$0x2080]  }
0x148: {  	v31 =	vld [tilespmem:s26+$0x2080];
	v32 =	vperm.xlane v26, v32  }
0x149: {  	v30 =	vperm.xlane v26, v30  }
0x14a: {  	v35 =	vperm.xlane v26, v35;
	[tilespmem:v15+s31+$0x0] =	vst.idx.msk $0xffff, v32  }
0x14b: {  	[tilespmem:v16+s18+$0x0] =	vst.idx.msk $0xffff, v30;
	v48 =	vperm.xlane v26, v33;
	v32 =	vld [tilespmem:s29+$0x2080]  }
0x14c: {  	v49 =	vld [tilespmem:s19+$0x2100];
	[tilespmem:v16+s20+$0x0] =	vst.idx.msk $0xffff, v35;
	v34 =	vperm.xlane v26, v34  }
0x14d: {  	v35 =	vld [tilespmem:s21+$0x2100];
	[tilespmem:v16+s23+$0x0] =	vst.idx.msk $0xffff, v48;
	v50 =	vperm.xlane v26, v31  }
0x14e: {  	v51 =	vld [tilespmem:s22+$0x2100];
	[tilespmem:v16+s25+$0x0] =	vst.idx.msk $0xffff, v34  }
0x14f: {  	[tilespmem:v16+s28+$0x0] =	vst.idx.msk $0xffff, v50;
	v34 =	vld [tilespmem:s24+$0x2100]  }
0x150: {  	v30 =	vld [tilespmem:s26+$0x2100];
	v32 =	vperm.xlane v26, v32  }
0x151: {  	v52 =	vperm.xlane v26, v49  }
0x152: {  	v35 =	vperm.xlane v26, v35;
	[tilespmem:v16+s31+$0x0] =	vst.idx.msk $0xffff, v32  }
0x153: {  	[tilespmem:v17+s18+$0x0] =	vst.idx.msk $0xffff, v52;
	v31 =	vperm.xlane v26, v51;
	v53 =	vld [tilespmem:s29+$0x2100]  }
0x154: {  	[tilespmem:v17+s20+$0x0] =	vst.idx.msk $0xffff, v35;
	v34 =	vperm.xlane v26, v34;
	v32 =	vld [tilespmem:s19+$0x2180]  }
0x155: {  	v35 =	vld [tilespmem:s21+$0x2180];
	[tilespmem:v17+s23+$0x0] =	vst.idx.msk $0xffff, v31;
	v30 =	vperm.xlane v26, v30  }
0x156: {  	v31 =	vld [tilespmem:s22+$0x2180];
	[tilespmem:v17+s25+$0x0] =	vst.idx.msk $0xffff, v34  }
0x157: {  	[tilespmem:v17+s28+$0x0] =	vst.idx.msk $0xffff, v30;
	v34 =	vld [tilespmem:s24+$0x2180]  }
0x158: {  	v30 =	vld [tilespmem:s26+$0x2180];
	v33 =	vperm.xlane v26, v53  }
0x159: {  	v32 =	vperm.xlane v26, v32  }
0x15a: {  	v35 =	vperm.xlane v26, v35;
	[tilespmem:v17+s31+$0x0] =	vst.idx.msk $0xffff, v33  }
0x15b: {  	v31 =	vperm.xlane v26, v31;
	[tilespmem:v18+s18+$0x0] =	vst.idx.msk $0xffff, v32;
	v33 =	vld [tilespmem:s29+$0x2180]  }
0x15c: {  	[tilespmem:v18+s20+$0x0] =	vst.idx.msk $0xffff, v35;
	v34 =	vperm.xlane v26, v34;
	v32 =	vld [tilespmem:s19+$0x2200]  }
0x15d: {  	v35 =	vld [tilespmem:s21+$0x2200];
	[tilespmem:v18+s23+$0x0] =	vst.idx.msk $0xffff, v31;
	v30 =	vperm.xlane v26, v30  }
0x15e: {  	v31 =	vld [tilespmem:s22+$0x2200];
	[tilespmem:v18+s25+$0x0] =	vst.idx.msk $0xffff, v34  }
0x15f: {  	v29 =	vperm.xlane v26, v29;
	[tilespmem:v18+s28+$0x0] =	vst.idx.msk $0xffff, v30;
	v34 =	vld [tilespmem:s24+$0x2200]  }
0x160: {  	v30 =	vld [tilespmem:s26+$0x2200];
	v33 =	vperm.xlane v26, v33  }
0x161: {  	[tilespmem:v19+s16+$0x0] =	vst.idx.msk $0xffff, v29;
	v32 =	vperm.xlane v26, v32  }
0x162: {  	v55 =	vld [tilespmem:s17+$0x2280];
	v54 =	vperm.xlane v26, v35;
	[tilespmem:v18+s31+$0x0] =	vst.idx.msk $0xffff, v33  }
0x163: {  	v31 =	vperm.xlane v26, v31;
	[tilespmem:v19+s18+$0x0] =	vst.idx.msk $0xffff, v32;
	v33 =	vld [tilespmem:s29+$0x2200]  }
0x164: {  	[tilespmem:v19+s20+$0x0] =	vst.idx.msk $0xffff, v54;
	v56 =	vperm.xlane v26, v34;
	v32 =	vld [tilespmem:s19+$0x2280]  }
0x165: {  	v57 =	vld [tilespmem:s21+$0x2280];
	[tilespmem:v19+s23+$0x0] =	vst.idx.msk $0xffff, v31;
	v30 =	vperm.xlane v26, v30  }
0x166: {  	v31 =	vld [tilespmem:s22+$0x2280];
	[tilespmem:v19+s25+$0x0] =	vst.idx.msk $0xffff, v56  }
0x167: {  	v60 =	vperm.xlane v26, v55;
	[tilespmem:v19+s28+$0x0] =	vst.idx.msk $0xffff, v30;
	v59 =	vld [tilespmem:s24+$0x2280]  }
0x168: {  	v61 =	vld [tilespmem:s26+$0x2280];
	v58 =	vperm.xlane v26, v33  }
0x169: {  	[tilespmem:v20+s16+$0x0] =	vst.idx.msk $0xffff, v60;
	v62 =	vperm.xlane v26, v32  }
0x16a: {  	v36 =	vld [tilespmem:s17+$0x2300];
	v34 =	vperm.xlane v26, v57;
	[tilespmem:v19+s31+$0x0] =	vst.idx.msk $0xffff, v58  }
0x16b: {  	v31 =	vperm.xlane v26, v31;
	[tilespmem:v20+s18+$0x0] =	vst.idx.msk $0xffff, v62;
	v63 =	vld [tilespmem:s29+$0x2280]  }
0x16c: {  	[tilespmem:v20+s20+$0x0] =	vst.idx.msk $0xffff, v34;
	v33 =	vperm.xlane v26, v59;
	v37 =	vld [tilespmem:s19+$0x2300]  }
0x16d: {  	[tilespmem:v20+s23+$0x0] =	vst.idx.msk $0xffff, v31;
	v39 =	vperm.xlane v26, v61;
	v38 =	vld [tilespmem:s21+$0x2300]  }
0x16e: {  	v40 =	vld [tilespmem:s22+$0x2300];
	[tilespmem:v20+s25+$0x0] =	vst.idx.msk $0xffff, v33  }
0x16f: {  	v29 =	vperm.xlane v26, v36;
	[tilespmem:v20+s28+$0x0] =	vst.idx.msk $0xffff, v39;
	v41 =	vld [tilespmem:s24+$0x2300]  }
0x170: {  	v42 =	vld [tilespmem:s26+$0x2300];
	v32 =	vperm.xlane v26, v63  }
0x171: {  	[tilespmem:v21+s16+$0x0] =	vst.idx.msk $0xffff, v29;
	v43 =	vperm.xlane v26, v37  }
0x172: {  	v46 =	vld [tilespmem:s17+$0x2380];
	v45 =	vperm.xlane v26, v38;
	[tilespmem:v20+s31+$0x0] =	vst.idx.msk $0xffff, v32  }
0x173: {  	v47 =	vperm.xlane v26, v40;
	[tilespmem:v21+s18+$0x0] =	vst.idx.msk $0xffff, v43;
	v44 =	vld [tilespmem:s29+$0x2300]  }
0x174: {  	[tilespmem:v21+s20+$0x0] =	vst.idx.msk $0xffff, v45;
	v49 =	vperm.xlane v26, v41;
	v48 =	vld [tilespmem:s19+$0x2380]  }
0x175: {  	[tilespmem:v21+s23+$0x0] =	vst.idx.msk $0xffff, v47;
	v51 =	vperm.xlane v26, v42;
	v50 =	vld [tilespmem:s21+$0x2380]  }
0x176: {  	v27 =	vperm.xlane v26, v27;
	v52 =	vld [tilespmem:s22+$0x2380];
	[tilespmem:v21+s25+$0x0] =	vst.idx.msk $0xffff, v49  }
0x177: {  	v55 =	vperm.xlane v26, v46;
	[tilespmem:v21+s28+$0x0] =	vst.idx.msk $0xffff, v51;
	v54 =	vld [tilespmem:s24+$0x2380]  }
0x178: {  	[tilespmem:v22+s14+$0x0] =	vst.idx.msk $0xffff, v27;
	v56 =	vld [tilespmem:s26+$0x2380];
	v53 =	vperm.xlane v26, v44  }
0x179: {  	[tilespmem:v22+s16+$0x0] =	vst.idx.msk $0xffff, v55;
	v57 =	vld [tilespmem:s15+$0x2400];
	v27 =	vperm.xlane v26, v48  }
0x17a: {  	v59 =	vld [tilespmem:s17+$0x2400];
	v58 =	vperm.xlane v26, v50;
	[tilespmem:v21+s31+$0x0] =	vst.idx.msk $0xffff, v53  }
0x17b: {  	[tilespmem:v22+s18+$0x0] =	vst.idx.msk $0xffff, v27;
	v27 =	vperm.xlane v26, v52;
	v29 =	vld [tilespmem:s29+$0x2380]  }
0x17c: {  	[tilespmem:v22+s20+$0x0] =	vst.idx.msk $0xffff, v58;
	v61 =	vperm.xlane v26, v54  }
0x17d: {  	v62 =	vld [tilespmem:s21+$0x2400];
	[tilespmem:v22+s23+$0x0] =	vst.idx.msk $0xffff, v27;
	v27 =	vperm.xlane v26, v56  }
0x17e: {  	v37 =	vperm.xlane v26, v57;
	v60 =	vld [tilespmem:s19+$0x2400];
	[tilespmem:v22+s25+$0x0] =	vst.idx.msk $0xffff, v61  }
0x17f: {  	v38 =	vld [tilespmem:s24+$0x2400];
	[tilespmem:v22+s28+$0x0] =	vst.idx.msk $0xffff, v27;
	v27 =	vperm.xlane v26, v59  }
0x180: {  	[tilespmem:v23+s14+$0x0] =	vst.idx.msk $0xffff, v37;
	v63 =	vld [tilespmem:s22+$0x2400];
	v36 =	vperm.xlane v26, v29  }
0x181: {  	v42 =	vld [tilespmem:s15+$0x3080];
	[tilespmem:v23+s16+$0x0] =	vst.idx.msk $0xffff, v27  }
0x182: {  	v39 =	vld [tilespmem:s26+$0x2400];
	v27 =	vperm.xlane v26, v62;
	[tilespmem:v22+s31+$0x0] =	vst.idx.msk $0xffff, v36  }
0x183: {  	v40 =	vperm.xlane v26, v60;
	v41 =	vld [tilespmem:s29+$0x2400]  }
0x184: {  	v43 =	vld [tilespmem:s17+$0x3080];
	[tilespmem:v23+s20+$0x0] =	vst.idx.msk $0xffff, v27;
	v27 =	vperm.xlane v26, v38  }
0x185: {  	[tilespmem:v23+s18+$0x0] =	vst.idx.msk $0xffff, v40;
	v44 =	vperm.xlane v26, v63;
	v46 =	vld [tilespmem:s21+$0x3080]  }
0x186: {  	v49 =	vperm.xlane v26, v42;
	v45 =	vld [tilespmem:s19+$0x3080];
	[tilespmem:v23+s25+$0x0] =	vst.idx.msk $0xffff, v27  }
0x187: {  	[tilespmem:v23+s23+$0x0] =	vst.idx.msk $0xffff, v44;
	v47 =	vperm.xlane v26, v39;
	v50 =	vld [tilespmem:s24+$0x3080]  }
0x188: {  	[tilespmem:v24+s14+$0x0] =	vst.idx.msk $0xffff, v49;
	v48 =	vld [tilespmem:s22+$0x3080];
	v27 =	vperm.xlane v26, v41  }
0x189: {  	[tilespmem:v23+s28+$0x0] =	vst.idx.msk $0xffff, v47;
	v51 =	vperm.xlane v26, v43  }
0x18a: {  	v52 =	vld [tilespmem:s26+$0x3080];
	v55 =	vperm.xlane v26, v46;
	[tilespmem:v23+s31+$0x0] =	vst.idx.msk $0xffff, v27  }
0x18b: {  	[tilespmem:v24+s16+$0x0] =	vst.idx.msk $0xffff, v51;
	v27 =	vperm.xlane v26, v45;
	v53 =	vld [tilespmem:s29+$0x3080]  }
0x18c: {  	v54 =	vld [tilespmem:s15+$0x3100];
	[tilespmem:v24+s20+$0x0] =	vst.idx.msk $0xffff, v55;
	v58 =	vperm.xlane v26, v50  }
0x18d: {  	v56 =	vld [tilespmem:s17+$0x3100];
	[tilespmem:v24+s18+$0x0] =	vst.idx.msk $0xffff, v27;
	v27 =	vperm.xlane v26, v48  }
0x18e: {  	v59 =	vld [tilespmem:s21+$0x3100];
	[tilespmem:v24+s25+$0x0] =	vst.idx.msk $0xffff, v58  }
0x18f: {  	v62 =	vld [tilespmem:s24+$0x3100];
	[tilespmem:v24+s23+$0x0] =	vst.idx.msk $0xffff, v27;
	v27 =	vperm.xlane v26, v52  }
0x190: {  	[tilespmem:v25+s30+$0x0] =	vst.idx.msk $0xffff, v28;
	v57 =	vld [tilespmem:s19+$0x3100];
	v61 =	vperm.xlane v26, v53  }
0x191: {  	v31 =	vperm.xlane v26, v54;
	v60 =	vld [tilespmem:s22+$0x3100];
	[tilespmem:v24+s28+$0x0] =	vst.idx.msk $0xffff, v27  }
0x192: {  	v33 =	vperm.xlane v26, v56;
	v27 =	vld [tilespmem:s26+$0x3100];
	[tilespmem:v24+s31+$0x0] =	vst.idx.msk $0xffff, v61  }
0x193: {  	[tilespmem:v25+s14+$0x0] =	vst.idx.msk $0xffff, v31;
	v32 =	vperm.xlane v26, v59;
	v28 =	vld [tilespmem:s29+$0x3100]  }
0x194: {  	[tilespmem:v25+s16+$0x0] =	vst.idx.msk $0xffff, v33;
	v29 =	vperm.xlane v26, v62  }
0x195: {  	[tilespmem:v25+s20+$0x0] =	vst.idx.msk $0xffff, v32;
	v63 =	vperm.xlane v26, v57  }
0x196: {  	[tilespmem:v25+s25+$0x0] =	vst.idx.msk $0xffff, v29;
	v30 =	vperm.xlane v26, v60  }
0x197: {  	[tilespmem:v25+s18+$0x0] =	vst.idx.msk $0xffff, v63;
	v27 =	vperm.xlane v26, v27  }
0x198: {  	s13 =	sadd.s32 $0x1, s13;
	[tilespmem:v25+s23+$0x0] =	vst.idx.msk $0xffff, v30;
	v26 =	vperm.xlane v26, v28  }
0x199: {  	p0 =	sne.s32 s13, s6;
	[tilespmem:v25+s28+$0x0] =	vst.idx.msk $0xffff, v27  }
.Ltmp1:
0x19a: {  	[tilespmem:v25+s31+$0x0] =	vst.idx.msk $0xffff, v26;
	(pc) =	sbr.rel @p0 .LBB2_1-.Ltmp1, $4  }
0x19b: {  	[hbm4b:s5+s3] =	stream.linear.scatter [tilespmem:s12], [sflag:$0x2], $0x3400, $0x38;
	[tilespmem:$0x7480] =	vst v63  }
0x19c: {  	_ =	swait.ge [sflag:s10], $0x3400  }
0x19d: {  	[sflag:s10] =	ssyncset.done $0x0  }
0x19e: {  	[sflag:s10] =	ssyncadd.s32 $0xFFFFCC00  }
0x19f: {  	_ =	sfence.sel $0x180000  }
0x1a0: {  	[bflag:$0x0] =	sbarrier.arrive $0xFFFF  }
0x1a1: {  	_ =	strace $0x90000047  }
0x1a2: {  	s0 =	stileid.u32;
	[bflag:$0x2] =	sbarrier.arrive $0xFFFF  }
0x1a3: {  	p0 =	sne.s32 s0, $0x0;
	s0 =	rddreg [dreg:$0x3]  }
0x1a4: {  	s0 =	sadd.s32 @!p0 $0x100000, s0  }
0x1a5: {  	[sflag:s0] =	ssyncadd.tile.s32 @!p0 $0x1;
	_ =	shalt  }
.Lfunc_end2:
_tile_overlayer_lowered:
.L_overlay_start_2:
0x1a6: {  	(tag) =	ssettag $0x2  }
0x1a7: {  	s0 =	rddreg [dreg:$0x0];
	s2 =	stileid.u32  }
0x1a8: {  	s1 =	rddreg [dreg:$0x1];
	p0 =	sne.s32 s2, $0x0  }
0x1a9: {  	s3 =	rddreg [dreg:$0x2];
	[bflag:$0x3] =	sbarrier.arrive $0xFFFF;
	s2 =	simm.s32 @!p0 $0x1C02  }
0x1aa: {  	[timem:s3], [sflag:s2] =	dma.local @!p0 [hbm:s0], s1  }
0x1ab: {  	s0 =	simm.s32 @!p0 $0x2  }
0x1ac: {  	_ =	swait.ge @!p0 [sflag:s0], s1  }
0x1ad: {  	s1 =	ssub.s32 @!p0 $0x0, s1;
	[sflag:s0] =	ssyncset.done @!p0 $0x0  }
0x1ae: {  	[sflag:s0] =	ssyncadd.s32 @!p0 s1  }
0x1af: {  	[bflag:$0x3] =	sbarrier.arrive $0xFFFF  }
0x1b0: {  	_ =	shalt  }

</sc_bundles>
